<compile_context>
chip_gen: v7x
topology: tpu7x:2x2x1
jax: 0.10.2.dev20260603
libtpu: 0.0.44.dev20260713+nightly
codegen_flags: <defaults>
</compile_context>

<pallas_src>
import functools

import jax
import jax.numpy as jnp
from jax import lax
from jax.experimental import pallas as pl
from jax.experimental.pallas import tpu as pltpu
from jax.experimental.pallas import tpu_sc as plsc

_NC = 2
_NS = 16
_L = 16
_NW = _NC * _NS

_NBUF = 4
_UNROLL = 8


def _make_sc_kernel(batch, flat):
    rows_per_w = batch // _NW
    n_groups = rows_per_w // _NBUF
    n_slices = flat // _L

    mesh = plsc.VectorSubcoreMesh(core_axis_name="c", subcore_axis_name="s")

    @functools.partial(
        pl.kernel,
        mesh=mesh,
        out_type=jax.ShapeDtypeStruct((batch, flat), jnp.float32),
        scratch_types=[
            pltpu.VMEM((flat,), jnp.float32),
            pltpu.VMEM((_NBUF, flat), jnp.float32),
            pltpu.VMEM((_NBUF, flat), jnp.float32),
            pltpu.SemaphoreType.DMA((_NBUF,)),
            pltpu.SemaphoreType.DMA((_NBUF,)),
            pltpu.SemaphoreType.DMA,
        ],
    )
    def sc_kernel(x_hbm, pos_hbm, out_hbm, pos_v, in_bufs, out_bufs,
                  in_sems, out_sems, pos_sem):
        wid = lax.axis_index("s") * _NC + lax.axis_index("c")
        base = wid * rows_per_w

        def in_copy(row, b):
            return pltpu.make_async_copy(
                x_hbm.at[base + row], in_bufs.at[b], in_sems.at[b])

        def out_copy(row, b):
            return pltpu.make_async_copy(
                out_bufs.at[b], out_hbm.at[base + row], out_sems.at[b])

        def add_row(b):
            sl = pl.ds(0, _L)
            out_bufs[b, sl] = in_bufs[b, sl] + pos_v[sl]

        pltpu.make_async_copy(pos_hbm, pos_v, pos_sem).start()
        for b in range(_NBUF):
            in_copy(b, b).start()
        pltpu.make_async_copy(pos_hbm, pos_v, pos_sem).wait()

        for b in range(_NBUF):
            in_copy(b, b).wait()
            add_row(b)
            out_copy(b, b).start()
            in_copy(b + _NBUF, b).start()

        def group(g, _):
            row0 = g * _NBUF
            for b in range(_NBUF):
                row = row0 + b
                in_copy(row, b).wait()
                out_copy(row - _NBUF, b).wait()
                add_row(b)
                out_copy(row, b).start()
                in_copy(row + _NBUF, b).start()
            return _

        lax.fori_loop(1, n_groups - 1, group, 0, unroll=False)

        row0 = (n_groups - 1) * _NBUF
        for b in range(_NBUF):
            row = row0 + b
            in_copy(row, b).wait()
            out_copy(row - _NBUF, b).wait()
            add_row(b)
            out_copy(row, b).start()
        for b in range(_NBUF):
            out_copy(row0 + b, b).wait()

    return sc_kernel


def kernel(x, pos_embedding):
    batch, seq_len, embed_dim = x.shape
    flat = seq_len * embed_dim
    x2 = x.reshape(batch, flat)
    pos2 = pos_embedding.reshape(flat)
    out = _make_sc_kernel(batch, flat)(x2, pos2)
    return out.reshape(batch, seq_len, embed_dim)

# --- scband reference (transcript-rebuilt; emitter-appended) ---
"""Pipeline reference for scband-positional-encoding-76270029243035 (READ-ONLY COPY).

The authoritative reference and input builder live on the scoring server;
editing this copy changes nothing except your own understanding.
"""

import jax, jax.numpy as jnp
import numpy as np

SEQ_LEN = 200
EMBED_DIM = 64
BATCH = 4096


def setup_inputs(seed: int = 0) -> dict:
    key = jax.random.key(seed)
    k1, k2 = jax.random.split(key)
    x = jax.random.normal(k1, (BATCH, SEQ_LEN, EMBED_DIM), dtype=jnp.float32)
    pos_embedding = jax.random.normal(k2, (SEQ_LEN, EMBED_DIM), dtype=jnp.float32) * 0.02
    return {"x": x, "pos_embedding": pos_embedding}


def reference(x, pos_embedding):
    batch_size, seq_len, _ = x.shape
    # positions = arange(seq_len) broadcast over batch; embedding lookup = gather
    positions = jnp.arange(seq_len)
    pos_enc = jnp.take(pos_embedding, positions, axis=0)  # [seq_len, embed_dim]
    pos_enc = jnp.broadcast_to(pos_enc[None, :, :], (batch_size, seq_len, pos_enc.shape[-1]))
    # dropout is identity in eval mode
    return x + pos_enc

if __name__ == "__main__":
    import jax
    _d = setup_inputs()
    print(jax.jit(kernel)(*tuple(_d.values())))

</pallas_src>

<mosaic_0001>
#map = affine_map<(d0, d1) -> (0, 0)>
#map1 = affine_map<(d0, d1) -> (0)>
module attributes {stable_mosaic.version = 14 : i64} {
  func.func @sc_kernel(%arg0: i32, %arg1: i32, %arg2: memref<4096x12800xf32, #tpu.memory_space<hbm>>, %arg3: memref<12800xf32, #tpu.memory_space<hbm>>, %arg4: memref<4096x12800xf32, #tpu.memory_space<hbm>>, %arg5: memref<12800xf32, #tpu.memory_space<vmem>>, %arg6: memref<4x12800xf32, #tpu.memory_space<vmem>>, %arg7: memref<4x12800xf32, #tpu.memory_space<vmem>>, %arg8: memref<4x!tpu.dma_semaphore, #tpu.memory_space<semaphore_mem>>, %arg9: memref<4x!tpu.dma_semaphore, #tpu.memory_space<semaphore_mem>>, %arg10: memref<!tpu.dma_semaphore, #tpu.memory_space<semaphore_mem>>) attributes {dimension_semantics = [#tpu.dimension_semantics<core_parallel>, #tpu.dimension_semantics<subcore_parallel>], iteration_bounds = array<i64: 2, 16>, scalar_prefetch = 0 : i64, scratch_operands = 6 : i64, tpu.core_type = #tpu.core_type<sc_vector_subcore>, window_params = [{transform_indices = #map}, {transform_indices = #map1}, {transform_indices = #map}]} {
    %mul3A = arith.constant 2 : i32
    %mul3A_0 = arith.muli %arg1, %mul3A : i32
    %add3A = arith.addi %mul3A_0, %arg0 : i32
    %mul3A_1 = arith.constant 128 : i32
    %mul3A_2 = arith.muli %add3A, %mul3A_1 : i32
    tpu.enqueue_dma source(%arg3 : memref<12800xf32, #tpu.memory_space<hbm>>) target(%arg5 : memref<12800xf32, #tpu.memory_space<vmem>>) target_semaphore(%arg10 : memref<!tpu.dma_semaphore, #tpu.memory_space<semaphore_mem>>)
    %add3A_3 = arith.constant 0 : i32
    %add3A_4 = arith.addi %mul3A_2, %add3A_3 : i32
    %dma_start3A = arith.constant 0 : i32
    %dma_start3A_5 = arith.constant 0 : i32
    %dma_start3A_6 = arith.constant 0 : i32
    %dma_start3A_7 = tpu.memref_slice %arg6[%dma_start3A, %dma_start3A_6] : memref<4x12800xf32, #tpu.memory_space<vmem>> -> memref<1x12800xf32, #tpu.memory_space<vmem>>
    %dma_start3A_8 = tpu.memref_squeeze %dma_start3A_7 : memref<1x12800xf32, #tpu.memory_space<vmem>> -> memref<12800xf32, #tpu.memory_space<vmem>>
    %dma_start3A_9 = arith.constant 0 : i32
    %dma_start3A_10 = tpu.memref_slice %arg2[%add3A_4, %dma_start3A_9] : memref<4096x12800xf32, #tpu.memory_space<hbm>> -> memref<1x12800xf32, #tpu.memory_space<hbm>>
    %dma_start3A_11 = tpu.memref_squeeze %dma_start3A_10 : memref<1x12800xf32, #tpu.memory_space<hbm>> -> memref<12800xf32, #tpu.memory_space<hbm>>
    %dma_start3A_12 = tpu.memref_slice %arg8[%dma_start3A_5] : memref<4x!tpu.dma_semaphore, #tpu.memory_space<semaphore_mem>> -> memref<1x!tpu.dma_semaphore, #tpu.memory_space<semaphore_mem>>
    %dma_start3A_13 = tpu.memref_squeeze %dma_start3A_12 : memref<1x!tpu.dma_semaphore, #tpu.memory_space<semaphore_mem>> -> memref<!tpu.dma_semaphore, #tpu.memory_space<semaphore_mem>>
    %dma_start3A_14 = arith.constant 0 : i32
    %dma_start3A_15 = tpu.memref_slice %arg6[%dma_start3A, %dma_start3A_14] : memref<4x12800xf32, #tpu.memory_space<vmem>> -> memref<1x12800xf32, #tpu.memory_space<vmem>>
    %dma_start3A_16 = tpu.memref_squeeze %dma_start3A_15 : memref<1x12800xf32, #tpu.memory_space<vmem>> -> memref<12800xf32, #tpu.memory_space<vmem>>
    %dma_start3A_17 = arith.constant 0 : i32
    %dma_start3A_18 = tpu.memref_slice %arg2[%add3A_4, %dma_start3A_17] : memref<4096x12800xf32, #tpu.memory_space<hbm>> -> memref<1x12800xf32, #tpu.memory_space<hbm>>
    %dma_start3A_19 = tpu.memref_squeeze %dma_start3A_18 : memref<1x12800xf32, #tpu.memory_space<hbm>> -> memref<12800xf32, #tpu.memory_space<hbm>>
    tpu.enqueue_dma source(%dma_start3A_19 : memref<12800xf32, #tpu.memory_space<hbm>>) target(%dma_start3A_16 : memref<12800xf32, #tpu.memory_space<vmem>>) target_semaphore(%dma_start3A_13 : memref<!tpu.dma_semaphore, #tpu.memory_space<semaphore_mem>>)
    %add3A_20 = arith.constant 1 : i32
    %add3A_21 = arith.addi %mul3A_2, %add3A_20 : i32
    %dma_start3A_22 = arith.constant 1 : i32
    %dma_start3A_23 = arith.constant 1 : i32
    %dma_start3A_24 = arith.constant 0 : i32
    %dma_start3A_25 = tpu.memref_slice %arg6[%dma_start3A_22, %dma_start3A_24] : memref<4x12800xf32, #tpu.memory_space<vmem>> -> memref<1x12800xf32, #tpu.memory_space<vmem>>
    %dma_start3A_26 = tpu.memref_squeeze %dma_start3A_25 : memref<1x12800xf32, #tpu.memory_space<vmem>> -> memref<12800xf32, #tpu.memory_space<vmem>>
    %dma_start3A_27 = arith.constant 0 : i32
    %dma_start3A_28 = tpu.memref_slice %arg2[%add3A_21, %dma_start3A_27] : memref<4096x12800xf32, #tpu.memory_space<hbm>> -> memref<1x12800xf32, #tpu.memory_space<hbm>>
    %dma_start3A_29 = tpu.memref_squeeze %dma_start3A_28 : memref<1x12800xf32, #tpu.memory_space<hbm>> -> memref<12800xf32, #tpu.memory_space<hbm>>
    %dma_start3A_30 = tpu.memref_slice %arg8[%dma_start3A_23] : memref<4x!tpu.dma_semaphore, #tpu.memory_space<semaphore_mem>> -> memref<1x!tpu.dma_semaphore, #tpu.memory_space<semaphore_mem>>
    %dma_start3A_31 = tpu.memref_squeeze %dma_start3A_30 : memref<1x!tpu.dma_semaphore, #tpu.memory_space<semaphore_mem>> -> memref<!tpu.dma_semaphore, #tpu.memory_space<semaphore_mem>>
    %dma_start3A_32 = arith.constant 0 : i32
    %dma_start3A_33 = tpu.memref_slice %arg6[%dma_start3A_22, %dma_start3A_32] : memref<4x12800xf32, #tpu.memory_space<vmem>> -> memref<1x12800xf32, #tpu.memory_space<vmem>>
    %dma_start3A_34 = tpu.memref_squeeze %dma_start3A_33 : memref<1x12800xf32, #tpu.memory_space<vmem>> -> memref<12800xf32, #tpu.memory_space<vmem>>
    %dma_start3A_35 = arith.constant 0 : i32
    %dma_start3A_36 = tpu.memref_slice %arg2[%add3A_21, %dma_start3A_35] : memref<4096x12800xf32, #tpu.memory_space<hbm>> -> memref<1x12800xf32, #tpu.memory_space<hbm>>
    %dma_start3A_37 = tpu.memref_squeeze %dma_start3A_36 : memref<1x12800xf32, #tpu.memory_space<hbm>> -> memref<12800xf32, #tpu.memory_space<hbm>>
    tpu.enqueue_dma source(%dma_start3A_37 : memref<12800xf32, #tpu.memory_space<hbm>>) target(%dma_start3A_34 : memref<12800xf32, #tpu.memory_space<vmem>>) target_semaphore(%dma_start3A_31 : memref<!tpu.dma_semaphore, #tpu.memory_space<semaphore_mem>>)
    %add3A_38 = arith.constant 2 : i32
    %add3A_39 = arith.addi %mul3A_2, %add3A_38 : i32
    %dma_start3A_40 = arith.constant 2 : i32
    %dma_start3A_41 = arith.constant 2 : i32
    %dma_start3A_42 = arith.constant 0 : i32
    %dma_start3A_43 = tpu.memref_slice %arg6[%dma_start3A_40, %dma_start3A_42] : memref<4x12800xf32, #tpu.memory_space<vmem>> -> memref<1x12800xf32, #tpu.memory_space<vmem>>
    %dma_start3A_44 = tpu.memref_squeeze %dma_start3A_43 : memref<1x12800xf32, #tpu.memory_space<vmem>> -> memref<12800xf32, #tpu.memory_space<vmem>>
    %dma_start3A_45 = arith.constant 0 : i32
    %dma_start3A_46 = tpu.memref_slice %arg2[%add3A_39, %dma_start3A_45] : memref<4096x12800xf32, #tpu.memory_space<hbm>> -> memref<1x12800xf32, #tpu.memory_space<hbm>>
    %dma_start3A_47 = tpu.memref_squeeze %dma_start3A_46 : memref<1x12800xf32, #tpu.memory_space<hbm>> -> memref<12800xf32, #tpu.memory_space<hbm>>
    %dma_start3A_48 = tpu.memref_slice %arg8[%dma_start3A_41] : memref<4x!tpu.dma_semaphore, #tpu.memory_space<semaphore_mem>> -> memref<1x!tpu.dma_semaphore, #tpu.memory_space<semaphore_mem>>
    %dma_start3A_49 = tpu.memref_squeeze %dma_start3A_48 : memref<1x!tpu.dma_semaphore, #tpu.memory_space<semaphore_mem>> -> memref<!tpu.dma_semaphore, #tpu.memory_space<semaphore_mem>>
    %dma_start3A_50 = arith.constant 0 : i32
    %dma_start3A_51 = tpu.memref_slice %arg6[%dma_start3A_40, %dma_start3A_50] : memref<4x12800xf32, #tpu.memory_space<vmem>> -> memref<1x12800xf32, #tpu.memory_space<vmem>>
    %dma_start3A_52 = tpu.memref_squeeze %dma_start3A_51 : memref<1x12800xf32, #tpu.memory_space<vmem>> -> memref<12800xf32, #tpu.memory_space<vmem>>
    %dma_start3A_53 = arith.constant 0 : i32
    %dma_start3A_54 = tpu.memref_slice %arg2[%add3A_39, %dma_start3A_53] : memref<4096x12800xf32, #tpu.memory_space<hbm>> -> memref<1x12800xf32, #tpu.memory_space<hbm>>
    %dma_start3A_55 = tpu.memref_squeeze %dma_start3A_54 : memref<1x12800xf32, #tpu.memory_space<hbm>> -> memref<12800xf32, #tpu.memory_space<hbm>>
    tpu.enqueue_dma source(%dma_start3A_55 : memref<12800xf32, #tpu.memory_space<hbm>>) target(%dma_start3A_52 : memref<12800xf32, #tpu.memory_space<vmem>>) target_semaphore(%dma_start3A_49 : memref<!tpu.dma_semaphore, #tpu.memory_space<semaphore_mem>>)
    %add3A_56 = arith.constant 3 : i32
    %add3A_57 = arith.addi %mul3A_2, %add3A_56 : i32
    %dma_start3A_58 = arith.constant 3 : i32
    %dma_start3A_59 = arith.constant 3 : i32
    %dma_start3A_60 = arith.constant 0 : i32
    %dma_start3A_61 = tpu.memref_slice %arg6[%dma_start3A_58, %dma_start3A_60] : memref<4x12800xf32, #tpu.memory_space<vmem>> -> memref<1x12800xf32, #tpu.memory_space<vmem>>
    %dma_start3A_62 = tpu.memref_squeeze %dma_start3A_61 : memref<1x12800xf32, #tpu.memory_space<vmem>> -> memref<12800xf32, #tpu.memory_space<vmem>>
    %dma_start3A_63 = arith.constant 0 : i32
    %dma_start3A_64 = tpu.memref_slice %arg2[%add3A_57, %dma_start3A_63] : memref<4096x12800xf32, #tpu.memory_space<hbm>> -> memref<1x12800xf32, #tpu.memory_space<hbm>>
    %dma_start3A_65 = tpu.memref_squeeze %dma_start3A_64 : memref<1x12800xf32, #tpu.memory_space<hbm>> -> memref<12800xf32, #tpu.memory_space<hbm>>
    %dma_start3A_66 = tpu.memref_slice %arg8[%dma_start3A_59] : memref<4x!tpu.dma_semaphore, #tpu.memory_space<semaphore_mem>> -> memref<1x!tpu.dma_semaphore, #tpu.memory_space<semaphore_mem>>
    %dma_start3A_67 = tpu.memref_squeeze %dma_start3A_66 : memref<1x!tpu.dma_semaphore, #tpu.memory_space<semaphore_mem>> -> memref<!tpu.dma_semaphore, #tpu.memory_space<semaphore_mem>>
    %dma_start3A_68 = arith.constant 0 : i32
    %dma_start3A_69 = tpu.memref_slice %arg6[%dma_start3A_58, %dma_start3A_68] : memref<4x12800xf32, #tpu.memory_space<vmem>> -> memref<1x12800xf32, #tpu.memory_space<vmem>>
    %dma_start3A_70 = tpu.memref_squeeze %dma_start3A_69 : memref<1x12800xf32, #tpu.memory_space<vmem>> -> memref<12800xf32, #tpu.memory_space<vmem>>
    %dma_start3A_71 = arith.constant 0 : i32
    %dma_start3A_72 = tpu.memref_slice %arg2[%add3A_57, %dma_start3A_71] : memref<4096x12800xf32, #tpu.memory_space<hbm>> -> memref<1x12800xf32, #tpu.memory_space<hbm>>
    %dma_start3A_73 = tpu.memref_squeeze %dma_start3A_72 : memref<1x12800xf32, #tpu.memory_space<hbm>> -> memref<12800xf32, #tpu.memory_space<hbm>>
    tpu.enqueue_dma source(%dma_start3A_73 : memref<12800xf32, #tpu.memory_space<hbm>>) target(%dma_start3A_70 : memref<12800xf32, #tpu.memory_space<vmem>>) target_semaphore(%dma_start3A_67 : memref<!tpu.dma_semaphore, #tpu.memory_space<semaphore_mem>>)
    tpu.wait_dma2 semaphore(%arg10 : memref<!tpu.dma_semaphore, #tpu.memory_space<semaphore_mem>>) src(%arg3 : memref<12800xf32, #tpu.memory_space<hbm>>) dst(%arg5 : memref<12800xf32, #tpu.memory_space<vmem>>)
    %add3A_74 = arith.constant 0 : i32
    %add3A_75 = arith.addi %mul3A_2, %add3A_74 : i32
    %dma_wait3A = arith.constant 0 : i32
    %dma_wait3A_76 = arith.constant 0 : i32
    %dma_wait3A_77 = arith.constant 0 : i32
    %dma_wait3A_78 = tpu.memref_slice %arg6[%dma_wait3A, %dma_wait3A_77] : memref<4x12800xf32, #tpu.memory_space<vmem>> -> memref<1x12800xf32, #tpu.memory_space<vmem>>
    %dma_wait3A_79 = tpu.memref_squeeze %dma_wait3A_78 : memref<1x12800xf32, #tpu.memory_space<vmem>> -> memref<12800xf32, #tpu.memory_space<vmem>>
    %dma_wait3A_80 = arith.constant 0 : i32
    %dma_wait3A_81 = tpu.memref_slice %arg2[%add3A_75, %dma_wait3A_80] : memref<4096x12800xf32, #tpu.memory_space<hbm>> -> memref<1x12800xf32, #tpu.memory_space<hbm>>
    %dma_wait3A_82 = tpu.memref_squeeze %dma_wait3A_81 : memref<1x12800xf32, #tpu.memory_space<hbm>> -> memref<12800xf32, #tpu.memory_space<hbm>>
    %dma_wait3A_83 = tpu.memref_slice %arg8[%dma_wait3A_76] : memref<4x!tpu.dma_semaphore, #tpu.memory_space<semaphore_mem>> -> memref<1x!tpu.dma_semaphore, #tpu.memory_space<semaphore_mem>>
    %dma_wait3A_84 = tpu.memref_squeeze %dma_wait3A_83 : memref<1x!tpu.dma_semaphore, #tpu.memory_space<semaphore_mem>> -> memref<!tpu.dma_semaphore, #tpu.memory_space<semaphore_mem>>
    %dma_wait3A_85 = arith.constant 0 : i32
    %dma_wait3A_86 = tpu.memref_slice %arg6[%dma_wait3A, %dma_wait3A_85] : memref<4x12800xf32, #tpu.memory_space<vmem>> -> memref<1x12800xf32, #tpu.memory_space<vmem>>
    %dma_wait3A_87 = tpu.memref_squeeze %dma_wait3A_86 : memref<1x12800xf32, #tpu.memory_space<vmem>> -> memref<12800xf32, #tpu.memory_space<vmem>>
    %dma_wait3A_88 = arith.constant 0 : i32
    %dma_wait3A_89 = tpu.memref_slice %arg2[%add3A_75, %dma_wait3A_88] : memref<4096x12800xf32, #tpu.memory_space<hbm>> -> memref<1x12800xf32, #tpu.memory_space<hbm>>
    %dma_wait3A_90 = tpu.memref_squeeze %dma_wait3A_89 : memref<1x12800xf32, #tpu.memory_space<hbm>> -> memref<12800xf32, #tpu.memory_space<hbm>>
    tpu.wait_dma2 semaphore(%dma_wait3A_84 : memref<!tpu.dma_semaphore, #tpu.memory_space<semaphore_mem>>) src(%dma_wait3A_90 : memref<12800xf32, #tpu.memory_space<hbm>>) dst(%dma_wait3A_87 : memref<12800xf32, #tpu.memory_space<vmem>>)
    %get3A = arith.constant 0 : i32
    %get3A_91 = arith.index_cast %get3A : i32 to index
    %get3A_92 = arith.constant 0 : index
    %get3A_93 = tpu.vector_load %arg6[%get3A_91, %get3A_92] {strides = array<i32>} : memref<4x12800xf32, #tpu.memory_space<vmem>>, vector<1x16xf32>,
    %get3A_94 = vector.shape_cast %get3A_93 : vector<1x16xf32> to vector<16xf32>
    %get3A_95 = arith.constant 0 : index
    %get3A_96 = tpu.vector_load %arg5[%get3A_95] {strides = array<i32>} : memref<12800xf32, #tpu.memory_space<vmem>>, vector<16xf32>,
    %get3A_97 = vector.shape_cast %get3A_96 : vector<16xf32> to vector<16xf32>
    %add3A_98 = arith.addf %get3A_94, %get3A_97 : vector<16xf32>
    %swap3A = arith.constant 0 : i32
    %swap3A_99 = arith.index_cast %swap3A : i32 to index
    %swap3A_100 = arith.constant 0 : index
    %swap3A_101 = tpu.vector_load %arg7[%swap3A_99, %swap3A_100] {strides = array<i32>} : memref<4x12800xf32, #tpu.memory_space<vmem>>, vector<1x16xf32>,
    %swap3A_102 = vector.shape_cast %swap3A_101 : vector<1x16xf32> to vector<16xf32>
    %swap3A_103 = vector.shape_cast %add3A_98 : vector<16xf32> to vector<1x16xf32>
    tpu.vector_store %arg7[%swap3A_99, %swap3A_100], %swap3A_103 {strides = array<i32>} : memref<4x12800xf32, #tpu.memory_space<vmem>>, vector<1x16xf32>,
    %add3A_104 = arith.constant 0 : i32
    %add3A_105 = arith.addi %mul3A_2, %add3A_104 : i32
    %dma_start3A_106 = arith.constant 0 : i32
    %dma_start3A_107 = arith.constant 0 : i32
    %dma_start3A_108 = arith.constant 0 : i32
    %dma_start3A_109 = tpu.memref_slice %arg7[%dma_start3A_106, %dma_start3A_108] : memref<4x12800xf32, #tpu.memory_space<vmem>> -> memref<1x12800xf32, #tpu.memory_space<vmem>>
    %dma_start3A_110 = tpu.memref_squeeze %dma_start3A_109 : memref<1x12800xf32, #tpu.memory_space<vmem>> -> memref<12800xf32, #tpu.memory_space<vmem>>
    %dma_start3A_111 = arith.constant 0 : i32
    %dma_start3A_112 = tpu.memref_slice %arg4[%add3A_105, %dma_start3A_111] : memref<4096x12800xf32, #tpu.memory_space<hbm>> -> memref<1x12800xf32, #tpu.memory_space<hbm>>
    %dma_start3A_113 = tpu.memref_squeeze %dma_start3A_112 : memref<1x12800xf32, #tpu.memory_space<hbm>> -> memref<12800xf32, #tpu.memory_space<hbm>>
    %dma_start3A_114 = tpu.memref_slice %arg9[%dma_start3A_107] : memref<4x!tpu.dma_semaphore, #tpu.memory_space<semaphore_mem>> -> memref<1x!tpu.dma_semaphore, #tpu.memory_space<semaphore_mem>>
    %dma_start3A_115 = tpu.memref_squeeze %dma_start3A_114 : memref<1x!tpu.dma_semaphore, #tpu.memory_space<semaphore_mem>> -> memref<!tpu.dma_semaphore, #tpu.memory_space<semaphore_mem>>
    %dma_start3A_116 = arith.constant 0 : i32
    %dma_start3A_117 = tpu.memref_slice %arg4[%add3A_105, %dma_start3A_116] : memref<4096x12800xf32, #tpu.memory_space<hbm>> -> memref<1x12800xf32, #tpu.memory_space<hbm>>
    %dma_start3A_118 = tpu.memref_squeeze %dma_start3A_117 : memref<1x12800xf32, #tpu.memory_space<hbm>> -> memref<12800xf32, #tpu.memory_space<hbm>>
    %dma_start3A_119 = arith.constant 0 : i32
    %dma_start3A_120 = tpu.memref_slice %arg7[%dma_start3A_106, %dma_start3A_119] : memref<4x12800xf32, #tpu.memory_space<vmem>> -> memref<1x12800xf32, #tpu.memory_space<vmem>>
    %dma_start3A_121 = tpu.memref_squeeze %dma_start3A_120 : memref<1x12800xf32, #tpu.memory_space<vmem>> -> memref<12800xf32, #tpu.memory_space<vmem>>
    tpu.enqueue_dma source(%dma_start3A_121 : memref<12800xf32, #tpu.memory_space<vmem>>) target(%dma_start3A_118 : memref<12800xf32, #tpu.memory_space<hbm>>) target_semaphore(%dma_start3A_115 : memref<!tpu.dma_semaphore, #tpu.memory_space<semaphore_mem>>)
    %add3A_122 = arith.constant 4 : i32
    %add3A_123 = arith.addi %mul3A_2, %add3A_122 : i32
    %dma_start3A_124 = arith.constant 0 : i32
    %dma_start3A_125 = arith.constant 0 : i32
    %dma_start3A_126 = arith.constant 0 : i32
    %dma_start3A_127 = tpu.memref_slice %arg6[%dma_start3A_124, %dma_start3A_126] : memref<4x12800xf32, #tpu.memory_space<vmem>> -> memref<1x12800xf32, #tpu.memory_space<vmem>>
    %dma_start3A_128 = tpu.memref_squeeze %dma_start3A_127 : memref<1x12800xf32, #tpu.memory_space<vmem>> -> memref<12800xf32, #tpu.memory_space<vmem>>
    %dma_start3A_129 = arith.constant 0 : i32
    %dma_start3A_130 = tpu.memref_slice %arg2[%add3A_123, %dma_start3A_129] : memref<4096x12800xf32, #tpu.memory_space<hbm>> -> memref<1x12800xf32, #tpu.memory_space<hbm>>
    %dma_start3A_131 = tpu.memref_squeeze %dma_start3A_130 : memref<1x12800xf32, #tpu.memory_space<hbm>> -> memref<12800xf32, #tpu.memory_space<hbm>>
    %dma_start3A_132 = tpu.memref_slice %arg8[%dma_start3A_125] : memref<4x!tpu.dma_semaphore, #tpu.memory_space<semaphore_mem>> -> memref<1x!tpu.dma_semaphore, #tpu.memory_space<semaphore_mem>>
    %dma_start3A_133 = tpu.memref_squeeze %dma_start3A_132 : memref<1x!tpu.dma_semaphore, #tpu.memory_space<semaphore_mem>> -> memref<!tpu.dma_semaphore, #tpu.memory_space<semaphore_mem>>
    %dma_start3A_134 = arith.constant 0 : i32
    %dma_start3A_135 = tpu.memref_slice %arg6[%dma_start3A_124, %dma_start3A_134] : memref<4x12800xf32, #tpu.memory_space<vmem>> -> memref<1x12800xf32, #tpu.memory_space<vmem>>
    %dma_start3A_136 = tpu.memref_squeeze %dma_start3A_135 : memref<1x12800xf32, #tpu.memory_space<vmem>> -> memref<12800xf32, #tpu.memory_space<vmem>>
    %dma_start3A_137 = arith.constant 0 : i32
    %dma_start3A_138 = tpu.memref_slice %arg2[%add3A_123, %dma_start3A_137] : memref<4096x12800xf32, #tpu.memory_space<hbm>> -> memref<1x12800xf32, #tpu.memory_space<hbm>>
    %dma_start3A_139 = tpu.memref_squeeze %dma_start3A_138 : memref<1x12800xf32, #tpu.memory_space<hbm>> -> memref<12800xf32, #tpu.memory_space<hbm>>
    tpu.enqueue_dma source(%dma_start3A_139 : memref<12800xf32, #tpu.memory_space<hbm>>) target(%dma_start3A_136 : memref<12800xf32, #tpu.memory_space<vmem>>) target_semaphore(%dma_start3A_133 : memref<!tpu.dma_semaphore, #tpu.memory_space<semaphore_mem>>)
    %add3A_140 = arith.constant 1 : i32
    %add3A_141 = arith.addi %mul3A_2, %add3A_140 : i32
    %dma_wait3A_142 = arith.constant 1 : i32
    %dma_wait3A_143 = arith.constant 1 : i32
    %dma_wait3A_144 = arith.constant 0 : i32
    %dma_wait3A_145 = tpu.memref_slice %arg6[%dma_wait3A_142, %dma_wait3A_144] : memref<4x12800xf32, #tpu.memory_space<vmem>> -> memref<1x12800xf32, #tpu.memory_space<vmem>>
    %dma_wait3A_146 = tpu.memref_squeeze %dma_wait3A_145 : memref<1x12800xf32, #tpu.memory_space<vmem>> -> memref<12800xf32, #tpu.memory_space<vmem>>
    %dma_wait3A_147 = arith.constant 0 : i32
    %dma_wait3A_148 = tpu.memref_slice %arg2[%add3A_141, %dma_wait3A_147] : memref<4096x12800xf32, #tpu.memory_space<hbm>> -> memref<1x12800xf32, #tpu.memory_space<hbm>>
    %dma_wait3A_149 = tpu.memref_squeeze %dma_wait3A_148 : memref<1x12800xf32, #tpu.memory_space<hbm>> -> memref<12800xf32, #tpu.memory_space<hbm>>
    %dma_wait3A_150 = tpu.memref_slice %arg8[%dma_wait3A_143] : memref<4x!tpu.dma_semaphore, #tpu.memory_space<semaphore_mem>> -> memref<1x!tpu.dma_semaphore, #tpu.memory_space<semaphore_mem>>
    %dma_wait3A_151 = tpu.memref_squeeze %dma_wait3A_150 : memref<1x!tpu.dma_semaphore, #tpu.memory_space<semaphore_mem>> -> memref<!tpu.dma_semaphore, #tpu.memory_space<semaphore_mem>>
    %dma_wait3A_152 = arith.constant 0 : i32
    %dma_wait3A_153 = tpu.memref_slice %arg6[%dma_wait3A_142, %dma_wait3A_152] : memref<4x12800xf32, #tpu.memory_space<vmem>> -> memref<1x12800xf32, #tpu.memory_space<vmem>>
    %dma_wait3A_154 = tpu.memref_squeeze %dma_wait3A_153 : memref<1x12800xf32, #tpu.memory_space<vmem>> -> memref<12800xf32, #tpu.memory_space<vmem>>
    %dma_wait3A_155 = arith.constant 0 : i32
    %dma_wait3A_156 = tpu.memref_slice %arg2[%add3A_141, %dma_wait3A_155] : memref<4096x12800xf32, #tpu.memory_space<hbm>> -> memref<1x12800xf32, #tpu.memory_space<hbm>>
    %dma_wait3A_157 = tpu.memref_squeeze %dma_wait3A_156 : memref<1x12800xf32, #tpu.memory_space<hbm>> -> memref<12800xf32, #tpu.memory_space<hbm>>
    tpu.wait_dma2 semaphore(%dma_wait3A_151 : memref<!tpu.dma_semaphore, #tpu.memory_space<semaphore_mem>>) src(%dma_wait3A_157 : memref<12800xf32, #tpu.memory_space<hbm>>) dst(%dma_wait3A_154 : memref<12800xf32, #tpu.memory_space<vmem>>)
    %get3A_158 = arith.constant 1 : i32
    %get3A_159 = arith.index_cast %get3A_158 : i32 to index
    %get3A_160 = arith.constant 0 : index
    %get3A_161 = tpu.vector_load %arg6[%get3A_159, %get3A_160] {strides = array<i32>} : memref<4x12800xf32, #tpu.memory_space<vmem>>, vector<1x16xf32>,
    %get3A_162 = vector.shape_cast %get3A_161 : vector<1x16xf32> to vector<16xf32>
    %get3A_163 = arith.constant 0 : index
    %get3A_164 = tpu.vector_load %arg5[%get3A_163] {strides = array<i32>} : memref<12800xf32, #tpu.memory_space<vmem>>, vector<16xf32>,
    %get3A_165 = vector.shape_cast %get3A_164 : vector<16xf32> to vector<16xf32>
    %add3A_166 = arith.addf %get3A_162, %get3A_165 : vector<16xf32>
    %swap3A_167 = arith.constant 1 : i32
    %swap3A_168 = arith.index_cast %swap3A_167 : i32 to index
    %swap3A_169 = arith.constant 0 : index
    %swap3A_170 = tpu.vector_load %arg7[%swap3A_168, %swap3A_169] {strides = array<i32>} : memref<4x12800xf32, #tpu.memory_space<vmem>>, vector<1x16xf32>,
    %swap3A_171 = vector.shape_cast %swap3A_170 : vector<1x16xf32> to vector<16xf32>
    %swap3A_172 = vector.shape_cast %add3A_166 : vector<16xf32> to vector<1x16xf32>
    tpu.vector_store %arg7[%swap3A_168, %swap3A_169], %swap3A_172 {strides = array<i32>} : memref<4x12800xf32, #tpu.memory_space<vmem>>, vector<1x16xf32>,
    %add3A_173 = arith.constant 1 : i32
    %add3A_174 = arith.addi %mul3A_2, %add3A_173 : i32
    %dma_start3A_175 = arith.constant 1 : i32
    %dma_start3A_176 = arith.constant 1 : i32
    %dma_start3A_177 = arith.constant 0 : i32
    %dma_start3A_178 = tpu.memref_slice %arg7[%dma_start3A_175, %dma_start3A_177] : memref<4x12800xf32, #tpu.memory_space<vmem>> -> memref<1x12800xf32, #tpu.memory_space<vmem>>
    %dma_start3A_179 = tpu.memref_squeeze %dma_start3A_178 : memref<1x12800xf32, #tpu.memory_space<vmem>> -> memref<12800xf32, #tpu.memory_space<vmem>>
    %dma_start3A_180 = arith.constant 0 : i32
    %dma_start3A_181 = tpu.memref_slice %arg4[%add3A_174, %dma_start3A_180] : memref<4096x12800xf32, #tpu.memory_space<hbm>> -> memref<1x12800xf32, #tpu.memory_space<hbm>>
    %dma_start3A_182 = tpu.memref_squeeze %dma_start3A_181 : memref<1x12800xf32, #tpu.memory_space<hbm>> -> memref<12800xf32, #tpu.memory_space<hbm>>
    %dma_start3A_183 = tpu.memref_slice %arg9[%dma_start3A_176] : memref<4x!tpu.dma_semaphore, #tpu.memory_space<semaphore_mem>> -> memref<1x!tpu.dma_semaphore, #tpu.memory_space<semaphore_mem>>
    %dma_start3A_184 = tpu.memref_squeeze %dma_start3A_183 : memref<1x!tpu.dma_semaphore, #tpu.memory_space<semaphore_mem>> -> memref<!tpu.dma_semaphore, #tpu.memory_space<semaphore_mem>>
    %dma_start3A_185 = arith.constant 0 : i32
    %dma_start3A_186 = tpu.memref_slice %arg4[%add3A_174, %dma_start3A_185] : memref<4096x12800xf32, #tpu.memory_space<hbm>> -> memref<1x12800xf32, #tpu.memory_space<hbm>>
    %dma_start3A_187 = tpu.memref_squeeze %dma_start3A_186 : memref<1x12800xf32, #tpu.memory_space<hbm>> -> memref<12800xf32, #tpu.memory_space<hbm>>
    %dma_start3A_188 = arith.constant 0 : i32
    %dma_start3A_189 = tpu.memref_slice %arg7[%dma_start3A_175, %dma_start3A_188] : memref<4x12800xf32, #tpu.memory_space<vmem>> -> memref<1x12800xf32, #tpu.memory_space<vmem>>
    %dma_start3A_190 = tpu.memref_squeeze %dma_start3A_189 : memref<1x12800xf32, #tpu.memory_space<vmem>> -> memref<12800xf32, #tpu.memory_space<vmem>>
    tpu.enqueue_dma source(%dma_start3A_190 : memref<12800xf32, #tpu.memory_space<vmem>>) target(%dma_start3A_187 : memref<12800xf32, #tpu.memory_space<hbm>>) target_semaphore(%dma_start3A_184 : memref<!tpu.dma_semaphore, #tpu.memory_space<semaphore_mem>>)
    %add3A_191 = arith.constant 5 : i32
    %add3A_192 = arith.addi %mul3A_2, %add3A_191 : i32
    %dma_start3A_193 = arith.constant 1 : i32
    %dma_start3A_194 = arith.constant 1 : i32
    %dma_start3A_195 = arith.constant 0 : i32
    %dma_start3A_196 = tpu.memref_slice %arg6[%dma_start3A_193, %dma_start3A_195] : memref<4x12800xf32, #tpu.memory_space<vmem>> -> memref<1x12800xf32, #tpu.memory_space<vmem>>
    %dma_start3A_197 = tpu.memref_squeeze %dma_start3A_196 : memref<1x12800xf32, #tpu.memory_space<vmem>> -> memref<12800xf32, #tpu.memory_space<vmem>>
    %dma_start3A_198 = arith.constant 0 : i32
    %dma_start3A_199 = tpu.memref_slice %arg2[%add3A_192, %dma_start3A_198] : memref<4096x12800xf32, #tpu.memory_space<hbm>> -> memref<1x12800xf32, #tpu.memory_space<hbm>>
    %dma_start3A_200 = tpu.memref_squeeze %dma_start3A_199 : memref<1x12800xf32, #tpu.memory_space<hbm>> -> memref<12800xf32, #tpu.memory_space<hbm>>
    %dma_start3A_201 = tpu.memref_slice %arg8[%dma_start3A_194] : memref<4x!tpu.dma_semaphore, #tpu.memory_space<semaphore_mem>> -> memref<1x!tpu.dma_semaphore, #tpu.memory_space<semaphore_mem>>
    %dma_start3A_202 = tpu.memref_squeeze %dma_start3A_201 : memref<1x!tpu.dma_semaphore, #tpu.memory_space<semaphore_mem>> -> memref<!tpu.dma_semaphore, #tpu.memory_space<semaphore_mem>>
    %dma_start3A_203 = arith.constant 0 : i32
    %dma_start3A_204 = tpu.memref_slice %arg6[%dma_start3A_193, %dma_start3A_203] : memref<4x12800xf32, #tpu.memory_space<vmem>> -> memref<1x12800xf32, #tpu.memory_space<vmem>>
    %dma_start3A_205 = tpu.memref_squeeze %dma_start3A_204 : memref<1x12800xf32, #tpu.memory_space<vmem>> -> memref<12800xf32, #tpu.memory_space<vmem>>
    %dma_start3A_206 = arith.constant 0 : i32
    %dma_start3A_207 = tpu.memref_slice %arg2[%add3A_192, %dma_start3A_206] : memref<4096x12800xf32, #tpu.memory_space<hbm>> -> memref<1x12800xf32, #tpu.memory_space<hbm>>
    %dma_start3A_208 = tpu.memref_squeeze %dma_start3A_207 : memref<1x12800xf32, #tpu.memory_space<hbm>> -> memref<12800xf32, #tpu.memory_space<hbm>>
    tpu.enqueue_dma source(%dma_start3A_208 : memref<12800xf32, #tpu.memory_space<hbm>>) target(%dma_start3A_205 : memref<12800xf32, #tpu.memory_space<vmem>>) target_semaphore(%dma_start3A_202 : memref<!tpu.dma_semaphore, #tpu.memory_space<semaphore_mem>>)
    %add3A_209 = arith.constant 2 : i32
    %add3A_210 = arith.addi %mul3A_2, %add3A_209 : i32
    %dma_wait3A_211 = arith.constant 2 : i32
    %dma_wait3A_212 = arith.constant 2 : i32
    %dma_wait3A_213 = arith.constant 0 : i32
    %dma_wait3A_214 = tpu.memref_slice %arg6[%dma_wait3A_211, %dma_wait3A_213] : memref<4x12800xf32, #tpu.memory_space<vmem>> -> memref<1x12800xf32, #tpu.memory_space<vmem>>
    %dma_wait3A_215 = tpu.memref_squeeze %dma_wait3A_214 : memref<1x12800xf32, #tpu.memory_space<vmem>> -> memref<12800xf32, #tpu.memory_space<vmem>>
    %dma_wait3A_216 = arith.constant 0 : i32
    %dma_wait3A_217 = tpu.memref_slice %arg2[%add3A_210, %dma_wait3A_216] : memref<4096x12800xf32, #tpu.memory_space<hbm>> -> memref<1x12800xf32, #tpu.memory_space<hbm>>
    %dma_wait3A_218 = tpu.memref_squeeze %dma_wait3A_217 : memref<1x12800xf32, #tpu.memory_space<hbm>> -> memref<12800xf32, #tpu.memory_space<hbm>>
    %dma_wait3A_219 = tpu.memref_slice %arg8[%dma_wait3A_212] : memref<4x!tpu.dma_semaphore, #tpu.memory_space<semaphore_mem>> -> memref<1x!tpu.dma_semaphore, #tpu.memory_space<semaphore_mem>>
    %dma_wait3A_220 = tpu.memref_squeeze %dma_wait3A_219 : memref<1x!tpu.dma_semaphore, #tpu.memory_space<semaphore_mem>> -> memref<!tpu.dma_semaphore, #tpu.memory_space<semaphore_mem>>
    %dma_wait3A_221 = arith.constant 0 : i32
    %dma_wait3A_222 = tpu.memref_slice %arg6[%dma_wait3A_211, %dma_wait3A_221] : memref<4x12800xf32, #tpu.memory_space<vmem>> -> memref<1x12800xf32, #tpu.memory_space<vmem>>
    %dma_wait3A_223 = tpu.memref_squeeze %dma_wait3A_222 : memref<1x12800xf32, #tpu.memory_space<vmem>> -> memref<12800xf32, #tpu.memory_space<vmem>>
    %dma_wait3A_224 = arith.constant 0 : i32
    %dma_wait3A_225 = tpu.memref_slice %arg2[%add3A_210, %dma_wait3A_224] : memref<4096x12800xf32, #tpu.memory_space<hbm>> -> memref<1x12800xf32, #tpu.memory_space<hbm>>
    %dma_wait3A_226 = tpu.memref_squeeze %dma_wait3A_225 : memref<1x12800xf32, #tpu.memory_space<hbm>> -> memref<12800xf32, #tpu.memory_space<hbm>>
    tpu.wait_dma2 semaphore(%dma_wait3A_220 : memref<!tpu.dma_semaphore, #tpu.memory_space<semaphore_mem>>) src(%dma_wait3A_226 : memref<12800xf32, #tpu.memory_space<hbm>>) dst(%dma_wait3A_223 : memref<12800xf32, #tpu.memory_space<vmem>>)
    %get3A_227 = arith.constant 2 : i32
    %get3A_228 = arith.index_cast %get3A_227 : i32 to index
    %get3A_229 = arith.constant 0 : index
    %get3A_230 = tpu.vector_load %arg6[%get3A_228, %get3A_229] {strides = array<i32>} : memref<4x12800xf32, #tpu.memory_space<vmem>>, vector<1x16xf32>,
    %get3A_231 = vector.shape_cast %get3A_230 : vector<1x16xf32> to vector<16xf32>
    %get3A_232 = arith.constant 0 : index
    %get3A_233 = tpu.vector_load %arg5[%get3A_232] {strides = array<i32>} : memref<12800xf32, #tpu.memory_space<vmem>>, vector<16xf32>,
    %get3A_234 = vector.shape_cast %get3A_233 : vector<16xf32> to vector<16xf32>
    %add3A_235 = arith.addf %get3A_231, %get3A_234 : vector<16xf32>
    %swap3A_236 = arith.constant 2 : i32
    %swap3A_237 = arith.index_cast %swap3A_236 : i32 to index
    %swap3A_238 = arith.constant 0 : index
    %swap3A_239 = tpu.vector_load %arg7[%swap3A_237, %swap3A_238] {strides = array<i32>} : memref<4x12800xf32, #tpu.memory_space<vmem>>, vector<1x16xf32>,
    %swap3A_240 = vector.shape_cast %swap3A_239 : vector<1x16xf32> to vector<16xf32>
    %swap3A_241 = vector.shape_cast %add3A_235 : vector<16xf32> to vector<1x16xf32>
    tpu.vector_store %arg7[%swap3A_237, %swap3A_238], %swap3A_241 {strides = array<i32>} : memref<4x12800xf32, #tpu.memory_space<vmem>>, vector<1x16xf32>,
    %add3A_242 = arith.constant 2 : i32
    %add3A_243 = arith.addi %mul3A_2, %add3A_242 : i32
    %dma_start3A_244 = arith.constant 2 : i32
    %dma_start3A_245 = arith.constant 2 : i32
    %dma_start3A_246 = arith.constant 0 : i32
    %dma_start3A_247 = tpu.memref_slice %arg7[%dma_start3A_244, %dma_start3A_246] : memref<4x12800xf32, #tpu.memory_space<vmem>> -> memref<1x12800xf32, #tpu.memory_space<vmem>>
    %dma_start3A_248 = tpu.memref_squeeze %dma_start3A_247 : memref<1x12800xf32, #tpu.memory_space<vmem>> -> memref<12800xf32, #tpu.memory_space<vmem>>
    %dma_start3A_249 = arith.constant 0 : i32
    %dma_start3A_250 = tpu.memref_slice %arg4[%add3A_243, %dma_start3A_249] : memref<4096x12800xf32, #tpu.memory_space<hbm>> -> memref<1x12800xf32, #tpu.memory_space<hbm>>
    %dma_start3A_251 = tpu.memref_squeeze %dma_start3A_250 : memref<1x12800xf32, #tpu.memory_space<hbm>> -> memref<12800xf32, #tpu.memory_space<hbm>>
    %dma_start3A_252 = tpu.memref_slice %arg9[%dma_start3A_245] : memref<4x!tpu.dma_semaphore, #tpu.memory_space<semaphore_mem>> -> memref<1x!tpu.dma_semaphore, #tpu.memory_space<semaphore_mem>>
    %dma_start3A_253 = tpu.memref_squeeze %dma_start3A_252 : memref<1x!tpu.dma_semaphore, #tpu.memory_space<semaphore_mem>> -> memref<!tpu.dma_semaphore, #tpu.memory_space<semaphore_mem>>
    %dma_start3A_254 = arith.constant 0 : i32
    %dma_start3A_255 = tpu.memref_slice %arg4[%add3A_243, %dma_start3A_254] : memref<4096x12800xf32, #tpu.memory_space<hbm>> -> memref<1x12800xf32, #tpu.memory_space<hbm>>
    %dma_start3A_256 = tpu.memref_squeeze %dma_start3A_255 : memref<1x12800xf32, #tpu.memory_space<hbm>> -> memref<12800xf32, #tpu.memory_space<hbm>>
    %dma_start3A_257 = arith.constant 0 : i32
    %dma_start3A_258 = tpu.memref_slice %arg7[%dma_start3A_244, %dma_start3A_257] : memref<4x12800xf32, #tpu.memory_space<vmem>> -> memref<1x12800xf32, #tpu.memory_space<vmem>>
    %dma_start3A_259 = tpu.memref_squeeze %dma_start3A_258 : memref<1x12800xf32, #tpu.memory_space<vmem>> -> memref<12800xf32, #tpu.memory_space<vmem>>
    tpu.enqueue_dma source(%dma_start3A_259 : memref<12800xf32, #tpu.memory_space<vmem>>) target(%dma_start3A_256 : memref<12800xf32, #tpu.memory_space<hbm>>) target_semaphore(%dma_start3A_253 : memref<!tpu.dma_semaphore, #tpu.memory_space<semaphore_mem>>)
    %add3A_260 = arith.constant 6 : i32
    %add3A_261 = arith.addi %mul3A_2, %add3A_260 : i32
    %dma_start3A_262 = arith.constant 2 : i32
    %dma_start3A_263 = arith.constant 2 : i32
    %dma_start3A_264 = arith.constant 0 : i32
    %dma_start3A_265 = tpu.memref_slice %arg6[%dma_start3A_262, %dma_start3A_264] : memref<4x12800xf32, #tpu.memory_space<vmem>> -> memref<1x12800xf32, #tpu.memory_space<vmem>>
    %dma_start3A_266 = tpu.memref_squeeze %dma_start3A_265 : memref<1x12800xf32, #tpu.memory_space<vmem>> -> memref<12800xf32, #tpu.memory_space<vmem>>
    %dma_start3A_267 = arith.constant 0 : i32
    %dma_start3A_268 = tpu.memref_slice %arg2[%add3A_261, %dma_start3A_267] : memref<4096x12800xf32, #tpu.memory_space<hbm>> -> memref<1x12800xf32, #tpu.memory_space<hbm>>
    %dma_start3A_269 = tpu.memref_squeeze %dma_start3A_268 : memref<1x12800xf32, #tpu.memory_space<hbm>> -> memref<12800xf32, #tpu.memory_space<hbm>>
    %dma_start3A_270 = tpu.memref_slice %arg8[%dma_start3A_263] : memref<4x!tpu.dma_semaphore, #tpu.memory_space<semaphore_mem>> -> memref<1x!tpu.dma_semaphore, #tpu.memory_space<semaphore_mem>>
    %dma_start3A_271 = tpu.memref_squeeze %dma_start3A_270 : memref<1x!tpu.dma_semaphore, #tpu.memory_space<semaphore_mem>> -> memref<!tpu.dma_semaphore, #tpu.memory_space<semaphore_mem>>
    %dma_start3A_272 = arith.constant 0 : i32
    %dma_start3A_273 = tpu.memref_slice %arg6[%dma_start3A_262, %dma_start3A_272] : memref<4x12800xf32, #tpu.memory_space<vmem>> -> memref<1x12800xf32, #tpu.memory_space<vmem>>
    %dma_start3A_274 = tpu.memref_squeeze %dma_start3A_273 : memref<1x12800xf32, #tpu.memory_space<vmem>> -> memref<12800xf32, #tpu.memory_space<vmem>>
    %dma_start3A_275 = arith.constant 0 : i32
    %dma_start3A_276 = tpu.memref_slice %arg2[%add3A_261, %dma_start3A_275] : memref<4096x12800xf32, #tpu.memory_space<hbm>> -> memref<1x12800xf32, #tpu.memory_space<hbm>>
    %dma_start3A_277 = tpu.memref_squeeze %dma_start3A_276 : memref<1x12800xf32, #tpu.memory_space<hbm>> -> memref<12800xf32, #tpu.memory_space<hbm>>
    tpu.enqueue_dma source(%dma_start3A_277 : memref<12800xf32, #tpu.memory_space<hbm>>) target(%dma_start3A_274 : memref<12800xf32, #tpu.memory_space<vmem>>) target_semaphore(%dma_start3A_271 : memref<!tpu.dma_semaphore, #tpu.memory_space<semaphore_mem>>)
    %add3A_278 = arith.constant 3 : i32
    %add3A_279 = arith.addi %mul3A_2, %add3A_278 : i32
    %dma_wait3A_280 = arith.constant 3 : i32
    %dma_wait3A_281 = arith.constant 3 : i32
    %dma_wait3A_282 = arith.constant 0 : i32
    %dma_wait3A_283 = tpu.memref_slice %arg6[%dma_wait3A_280, %dma_wait3A_282] : memref<4x12800xf32, #tpu.memory_space<vmem>> -> memref<1x12800xf32, #tpu.memory_space<vmem>>
    %dma_wait3A_284 = tpu.memref_squeeze %dma_wait3A_283 : memref<1x12800xf32, #tpu.memory_space<vmem>> -> memref<12800xf32, #tpu.memory_space<vmem>>
    %dma_wait3A_285 = arith.constant 0 : i32
    %dma_wait3A_286 = tpu.memref_slice %arg2[%add3A_279, %dma_wait3A_285] : memref<4096x12800xf32, #tpu.memory_space<hbm>> -> memref<1x12800xf32, #tpu.memory_space<hbm>>
    %dma_wait3A_287 = tpu.memref_squeeze %dma_wait3A_286 : memref<1x12800xf32, #tpu.memory_space<hbm>> -> memref<12800xf32, #tpu.memory_space<hbm>>
    %dma_wait3A_288 = tpu.memref_slice %arg8[%dma_wait3A_281] : memref<4x!tpu.dma_semaphore, #tpu.memory_space<semaphore_mem>> -> memref<1x!tpu.dma_semaphore, #tpu.memory_space<semaphore_mem>>
    %dma_wait3A_289 = tpu.memref_squeeze %dma_wait3A_288 : memref<1x!tpu.dma_semaphore, #tpu.memory_space<semaphore_mem>> -> memref<!tpu.dma_semaphore, #tpu.memory_space<semaphore_mem>>
    %dma_wait3A_290 = arith.constant 0 : i32
    %dma_wait3A_291 = tpu.memref_slice %arg6[%dma_wait3A_280, %dma_wait3A_290] : memref<4x12800xf32, #tpu.memory_space<vmem>> -> memref<1x12800xf32, #tpu.memory_space<vmem>>
    %dma_wait3A_292 = tpu.memref_squeeze %dma_wait3A_291 : memref<1x12800xf32, #tpu.memory_space<vmem>> -> memref<12800xf32, #tpu.memory_space<vmem>>
    %dma_wait3A_293 = arith.constant 0 : i32
    %dma_wait3A_294 = tpu.memref_slice %arg2[%add3A_279, %dma_wait3A_293] : memref<4096x12800xf32, #tpu.memory_space<hbm>> -> memref<1x12800xf32, #tpu.memory_space<hbm>>
    %dma_wait3A_295 = tpu.memref_squeeze %dma_wait3A_294 : memref<1x12800xf32, #tpu.memory_space<hbm>> -> memref<12800xf32, #tpu.memory_space<hbm>>
    tpu.wait_dma2 semaphore(%dma_wait3A_289 : memref<!tpu.dma_semaphore, #tpu.memory_space<semaphore_mem>>) src(%dma_wait3A_295 : memref<12800xf32, #tpu.memory_space<hbm>>) dst(%dma_wait3A_292 : memref<12800xf32, #tpu.memory_space<vmem>>)
    %get3A_296 = arith.constant 3 : i32
    %get3A_297 = arith.index_cast %get3A_296 : i32 to index
    %get3A_298 = arith.constant 0 : index
    %get3A_299 = tpu.vector_load %arg6[%get3A_297, %get3A_298] {strides = array<i32>} : memref<4x12800xf32, #tpu.memory_space<vmem>>, vector<1x16xf32>,
    %get3A_300 = vector.shape_cast %get3A_299 : vector<1x16xf32> to vector<16xf32>
    %get3A_301 = arith.constant 0 : index
    %get3A_302 = tpu.vector_load %arg5[%get3A_301] {strides = array<i32>} : memref<12800xf32, #tpu.memory_space<vmem>>, vector<16xf32>,
    %get3A_303 = vector.shape_cast %get3A_302 : vector<16xf32> to vector<16xf32>
    %add3A_304 = arith.addf %get3A_300, %get3A_303 : vector<16xf32>
    %swap3A_305 = arith.constant 3 : i32
    %swap3A_306 = arith.index_cast %swap3A_305 : i32 to index
    %swap3A_307 = arith.constant 0 : index
    %swap3A_308 = tpu.vector_load %arg7[%swap3A_306, %swap3A_307] {strides = array<i32>} : memref<4x12800xf32, #tpu.memory_space<vmem>>, vector<1x16xf32>,
    %swap3A_309 = vector.shape_cast %swap3A_308 : vector<1x16xf32> to vector<16xf32>
    %swap3A_310 = vector.shape_cast %add3A_304 : vector<16xf32> to vector<1x16xf32>
    tpu.vector_store %arg7[%swap3A_306, %swap3A_307], %swap3A_310 {strides = array<i32>} : memref<4x12800xf32, #tpu.memory_space<vmem>>, vector<1x16xf32>,
    %add3A_311 = arith.constant 3 : i32
    %add3A_312 = arith.addi %mul3A_2, %add3A_311 : i32
    %dma_start3A_313 = arith.constant 3 : i32
    %dma_start3A_314 = arith.constant 3 : i32
    %dma_start3A_315 = arith.constant 0 : i32
    %dma_start3A_316 = tpu.memref_slice %arg7[%dma_start3A_313, %dma_start3A_315] : memref<4x12800xf32, #tpu.memory_space<vmem>> -> memref<1x12800xf32, #tpu.memory_space<vmem>>
    %dma_start3A_317 = tpu.memref_squeeze %dma_start3A_316 : memref<1x12800xf32, #tpu.memory_space<vmem>> -> memref<12800xf32, #tpu.memory_space<vmem>>
    %dma_start3A_318 = arith.constant 0 : i32
    %dma_start3A_319 = tpu.memref_slice %arg4[%add3A_312, %dma_start3A_318] : memref<4096x12800xf32, #tpu.memory_space<hbm>> -> memref<1x12800xf32, #tpu.memory_space<hbm>>
    %dma_start3A_320 = tpu.memref_squeeze %dma_start3A_319 : memref<1x12800xf32, #tpu.memory_space<hbm>> -> memref<12800xf32, #tpu.memory_space<hbm>>
    %dma_start3A_321 = tpu.memref_slice %arg9[%dma_start3A_314] : memref<4x!tpu.dma_semaphore, #tpu.memory_space<semaphore_mem>> -> memref<1x!tpu.dma_semaphore, #tpu.memory_space<semaphore_mem>>
    %dma_start3A_322 = tpu.memref_squeeze %dma_start3A_321 : memref<1x!tpu.dma_semaphore, #tpu.memory_space<semaphore_mem>> -> memref<!tpu.dma_semaphore, #tpu.memory_space<semaphore_mem>>
    %dma_start3A_323 = arith.constant 0 : i32
    %dma_start3A_324 = tpu.memref_slice %arg4[%add3A_312, %dma_start3A_323] : memref<4096x12800xf32, #tpu.memory_space<hbm>> -> memref<1x12800xf32, #tpu.memory_space<hbm>>
    %dma_start3A_325 = tpu.memref_squeeze %dma_start3A_324 : memref<1x12800xf32, #tpu.memory_space<hbm>> -> memref<12800xf32, #tpu.memory_space<hbm>>
    %dma_start3A_326 = arith.constant 0 : i32
    %dma_start3A_327 = tpu.memref_slice %arg7[%dma_start3A_313, %dma_start3A_326] : memref<4x12800xf32, #tpu.memory_space<vmem>> -> memref<1x12800xf32, #tpu.memory_space<vmem>>
    %dma_start3A_328 = tpu.memref_squeeze %dma_start3A_327 : memref<1x12800xf32, #tpu.memory_space<vmem>> -> memref<12800xf32, #tpu.memory_space<vmem>>
    tpu.enqueue_dma source(%dma_start3A_328 : memref<12800xf32, #tpu.memory_space<vmem>>) target(%dma_start3A_325 : memref<12800xf32, #tpu.memory_space<hbm>>) target_semaphore(%dma_start3A_322 : memref<!tpu.dma_semaphore, #tpu.memory_space<semaphore_mem>>)
    %add3A_329 = arith.constant 7 : i32
    %add3A_330 = arith.addi %mul3A_2, %add3A_329 : i32
    %dma_start3A_331 = arith.constant 3 : i32
    %dma_start3A_332 = arith.constant 3 : i32
    %dma_start3A_333 = arith.constant 0 : i32
    %dma_start3A_334 = tpu.memref_slice %arg6[%dma_start3A_331, %dma_start3A_333] : memref<4x12800xf32, #tpu.memory_space<vmem>> -> memref<1x12800xf32, #tpu.memory_space<vmem>>
    %dma_start3A_335 = tpu.memref_squeeze %dma_start3A_334 : memref<1x12800xf32, #tpu.memory_space<vmem>> -> memref<12800xf32, #tpu.memory_space<vmem>>
    %dma_start3A_336 = arith.constant 0 : i32
    %dma_start3A_337 = tpu.memref_slice %arg2[%add3A_330, %dma_start3A_336] : memref<4096x12800xf32, #tpu.memory_space<hbm>> -> memref<1x12800xf32, #tpu.memory_space<hbm>>
    %dma_start3A_338 = tpu.memref_squeeze %dma_start3A_337 : memref<1x12800xf32, #tpu.memory_space<hbm>> -> memref<12800xf32, #tpu.memory_space<hbm>>
    %dma_start3A_339 = tpu.memref_slice %arg8[%dma_start3A_332] : memref<4x!tpu.dma_semaphore, #tpu.memory_space<semaphore_mem>> -> memref<1x!tpu.dma_semaphore, #tpu.memory_space<semaphore_mem>>
    %dma_start3A_340 = tpu.memref_squeeze %dma_start3A_339 : memref<1x!tpu.dma_semaphore, #tpu.memory_space<semaphore_mem>> -> memref<!tpu.dma_semaphore, #tpu.memory_space<semaphore_mem>>
    %dma_start3A_341 = arith.constant 0 : i32
    %dma_start3A_342 = tpu.memref_slice %arg6[%dma_start3A_331, %dma_start3A_341] : memref<4x12800xf32, #tpu.memory_space<vmem>> -> memref<1x12800xf32, #tpu.memory_space<vmem>>
    %dma_start3A_343 = tpu.memref_squeeze %dma_start3A_342 : memref<1x12800xf32, #tpu.memory_space<vmem>> -> memref<12800xf32, #tpu.memory_space<vmem>>
    %dma_start3A_344 = arith.constant 0 : i32
    %dma_start3A_345 = tpu.memref_slice %arg2[%add3A_330, %dma_start3A_344] : memref<4096x12800xf32, #tpu.memory_space<hbm>> -> memref<1x12800xf32, #tpu.memory_space<hbm>>
    %dma_start3A_346 = tpu.memref_squeeze %dma_start3A_345 : memref<1x12800xf32, #tpu.memory_space<hbm>> -> memref<12800xf32, #tpu.memory_space<hbm>>
    tpu.enqueue_dma source(%dma_start3A_346 : memref<12800xf32, #tpu.memory_space<hbm>>) target(%dma_start3A_343 : memref<12800xf32, #tpu.memory_space<vmem>>) target_semaphore(%dma_start3A_340 : memref<!tpu.dma_semaphore, #tpu.memory_space<semaphore_mem>>)
    %scan3A = arith.constant 0 : i32
    %scan3A_347 = arith.constant 1 : i32
    %scan3A_348 = arith.constant 30 : i32
    %scan3A_349 = arith.addi %scan3A_347, %scan3A_348 : i32
    %scan3A_350 = arith.constant 1 : i32
    scf.for %scan3A_700 = %scan3A_347 to %scan3A_349 step %scan3A_350  : i32 {
      %mul3A_701 = arith.constant 4 : i32
      %mul3A_702 = arith.muli %scan3A_700, %mul3A_701 : i32
      %add3A_703 = arith.constant 0 : i32
      %add3A_704 = arith.addi %mul3A_702, %add3A_703 : i32
      %add3A_705 = arith.addi %mul3A_2, %add3A_704 : i32
      %dma_wait3A_706 = arith.constant 0 : i32
      %dma_wait3A_707 = arith.constant 0 : i32
      %dma_wait3A_708 = arith.constant 0 : i32
      %dma_wait3A_709 = tpu.memref_slice %arg6[%dma_wait3A_706, %dma_wait3A_708] : memref<4x12800xf32, #tpu.memory_space<vmem>> -> memref<1x12800xf32, #tpu.memory_space<vmem>>
      %dma_wait3A_710 = tpu.memref_squeeze %dma_wait3A_709 : memref<1x12800xf32, #tpu.memory_space<vmem>> -> memref<12800xf32, #tpu.memory_space<vmem>>
      %dma_wait3A_711 = arith.constant 0 : i32
      %dma_wait3A_712 = tpu.memref_slice %arg2[%add3A_705, %dma_wait3A_711] : memref<4096x12800xf32, #tpu.memory_space<hbm>> -> memref<1x12800xf32, #tpu.memory_space<hbm>>
      %dma_wait3A_713 = tpu.memref_squeeze %dma_wait3A_712 : memref<1x12800xf32, #tpu.memory_space<hbm>> -> memref<12800xf32, #tpu.memory_space<hbm>>
      %dma_wait3A_714 = tpu.memref_slice %arg8[%dma_wait3A_707] : memref<4x!tpu.dma_semaphore, #tpu.memory_space<semaphore_mem>> -> memref<1x!tpu.dma_semaphore, #tpu.memory_space<semaphore_mem>>
      %dma_wait3A_715 = tpu.memref_squeeze %dma_wait3A_714 : memref<1x!tpu.dma_semaphore, #tpu.memory_space<semaphore_mem>> -> memref<!tpu.dma_semaphore, #tpu.memory_space<semaphore_mem>>
      %dma_wait3A_716 = arith.constant 0 : i32
      %dma_wait3A_717 = tpu.memref_slice %arg6[%dma_wait3A_706, %dma_wait3A_716] : memref<4x12800xf32, #tpu.memory_space<vmem>> -> memref<1x12800xf32, #tpu.memory_space<vmem>>
      %dma_wait3A_718 = tpu.memref_squeeze %dma_wait3A_717 : memref<1x12800xf32, #tpu.memory_space<vmem>> -> memref<12800xf32, #tpu.memory_space<vmem>>
      %dma_wait3A_719 = arith.constant 0 : i32
      %dma_wait3A_720 = tpu.memref_slice %arg2[%add3A_705, %dma_wait3A_719] : memref<4096x12800xf32, #tpu.memory_space<hbm>> -> memref<1x12800xf32, #tpu.memory_space<hbm>>
      %dma_wait3A_721 = tpu.memref_squeeze %dma_wait3A_720 : memref<1x12800xf32, #tpu.memory_space<hbm>> -> memref<12800xf32, #tpu.memory_space<hbm>>
      tpu.wait_dma2 semaphore(%dma_wait3A_715 : memref<!tpu.dma_semaphore, #tpu.memory_space<semaphore_mem>>) src(%dma_wait3A_721 : memref<12800xf32, #tpu.memory_space<hbm>>) dst(%dma_wait3A_718 : memref<12800xf32, #tpu.memory_space<vmem>>)
      %sub3A = arith.constant 4 : i32
      %sub3A_722 = arith.subi %add3A_704, %sub3A : i32
      %add3A_723 = arith.addi %mul3A_2, %sub3A_722 : i32
      %dma_wait3A_724 = arith.constant 0 : i32
      %dma_wait3A_725 = arith.constant 0 : i32
      %dma_wait3A_726 = arith.constant 0 : i32
      %dma_wait3A_727 = tpu.memref_slice %arg7[%dma_wait3A_724, %dma_wait3A_726] : memref<4x12800xf32, #tpu.memory_space<vmem>> -> memref<1x12800xf32, #tpu.memory_space<vmem>>
      %dma_wait3A_728 = tpu.memref_squeeze %dma_wait3A_727 : memref<1x12800xf32, #tpu.memory_space<vmem>> -> memref<12800xf32, #tpu.memory_space<vmem>>
      %dma_wait3A_729 = arith.constant 0 : i32
      %dma_wait3A_730 = tpu.memref_slice %arg4[%add3A_723, %dma_wait3A_729] : memref<4096x12800xf32, #tpu.memory_space<hbm>> -> memref<1x12800xf32, #tpu.memory_space<hbm>>
      %dma_wait3A_731 = tpu.memref_squeeze %dma_wait3A_730 : memref<1x12800xf32, #tpu.memory_space<hbm>> -> memref<12800xf32, #tpu.memory_space<hbm>>
      %dma_wait3A_732 = tpu.memref_slice %arg9[%dma_wait3A_725] : memref<4x!tpu.dma_semaphore, #tpu.memory_space<semaphore_mem>> -> memref<1x!tpu.dma_semaphore, #tpu.memory_space<semaphore_mem>>
      %dma_wait3A_733 = tpu.memref_squeeze %dma_wait3A_732 : memref<1x!tpu.dma_semaphore, #tpu.memory_space<semaphore_mem>> -> memref<!tpu.dma_semaphore, #tpu.memory_space<semaphore_mem>>
      %dma_wait3A_734 = arith.constant 0 : i32
      %dma_wait3A_735 = tpu.memref_slice %arg4[%add3A_723, %dma_wait3A_734] : memref<4096x12800xf32, #tpu.memory_space<hbm>> -> memref<1x12800xf32, #tpu.memory_space<hbm>>
      %dma_wait3A_736 = tpu.memref_squeeze %dma_wait3A_735 : memref<1x12800xf32, #tpu.memory_space<hbm>> -> memref<12800xf32, #tpu.memory_space<hbm>>
      %dma_wait3A_737 = arith.constant 0 : i32
      %dma_wait3A_738 = tpu.memref_slice %arg7[%dma_wait3A_724, %dma_wait3A_737] : memref<4x12800xf32, #tpu.memory_space<vmem>> -> memref<1x12800xf32, #tpu.memory_space<vmem>>
      %dma_wait3A_739 = tpu.memref_squeeze %dma_wait3A_738 : memref<1x12800xf32, #tpu.memory_space<vmem>> -> memref<12800xf32, #tpu.memory_space<vmem>>
      tpu.wait_dma2 semaphore(%dma_wait3A_733 : memref<!tpu.dma_semaphore, #tpu.memory_space<semaphore_mem>>) src(%dma_wait3A_739 : memref<12800xf32, #tpu.memory_space<vmem>>) dst(%dma_wait3A_736 : memref<12800xf32, #tpu.memory_space<hbm>>)
      %get3A_740 = arith.constant 0 : i32
      %get3A_741 = arith.index_cast %get3A_740 : i32 to index
      %get3A_742 = arith.constant 0 : index
      %get3A_743 = tpu.vector_load %arg6[%get3A_741, %get3A_742] {strides = array<i32>} : memref<4x12800xf32, #tpu.memory_space<vmem>>, vector<1x16xf32>,
      %get3A_744 = vector.shape_cast %get3A_743 : vector<1x16xf32> to vector<16xf32>
      %get3A_745 = arith.constant 0 : index
      %get3A_746 = tpu.vector_load %arg5[%get3A_745] {strides = array<i32>} : memref<12800xf32, #tpu.memory_space<vmem>>, vector<16xf32>,
      %get3A_747 = vector.shape_cast %get3A_746 : vector<16xf32> to vector<16xf32>
      %add3A_748 = arith.addf %get3A_744, %get3A_747 : vector<16xf32>
      %swap3A_749 = arith.constant 0 : i32
      %swap3A_750 = arith.index_cast %swap3A_749 : i32 to index
      %swap3A_751 = arith.constant 0 : index
      %swap3A_752 = tpu.vector_load %arg7[%swap3A_750, %swap3A_751] {strides = array<i32>} : memref<4x12800xf32, #tpu.memory_space<vmem>>, vector<1x16xf32>,
      %swap3A_753 = vector.shape_cast %swap3A_752 : vector<1x16xf32> to vector<16xf32>
      %swap3A_754 = vector.shape_cast %add3A_748 : vector<16xf32> to vector<1x16xf32>
      tpu.vector_store %arg7[%swap3A_750, %swap3A_751], %swap3A_754 {strides = array<i32>} : memref<4x12800xf32, #tpu.memory_space<vmem>>, vector<1x16xf32>,
      %add3A_755 = arith.addi %mul3A_2, %add3A_704 : i32
      %dma_start3A_756 = arith.constant 0 : i32
      %dma_start3A_757 = arith.constant 0 : i32
      %dma_start3A_758 = arith.constant 0 : i32
      %dma_start3A_759 = tpu.memref_slice %arg7[%dma_start3A_756, %dma_start3A_758] : memref<4x12800xf32, #tpu.memory_space<vmem>> -> memref<1x12800xf32, #tpu.memory_space<vmem>>
      %dma_start3A_760 = tpu.memref_squeeze %dma_start3A_759 : memref<1x12800xf32, #tpu.memory_space<vmem>> -> memref<12800xf32, #tpu.memory_space<vmem>>
      %dma_start3A_761 = arith.constant 0 : i32
      %dma_start3A_762 = tpu.memref_slice %arg4[%add3A_755, %dma_start3A_761] : memref<4096x12800xf32, #tpu.memory_space<hbm>> -> memref<1x12800xf32, #tpu.memory_space<hbm>>
      %dma_start3A_763 = tpu.memref_squeeze %dma_start3A_762 : memref<1x12800xf32, #tpu.memory_space<hbm>> -> memref<12800xf32, #tpu.memory_space<hbm>>
      %dma_start3A_764 = tpu.memref_slice %arg9[%dma_start3A_757] : memref<4x!tpu.dma_semaphore, #tpu.memory_space<semaphore_mem>> -> memref<1x!tpu.dma_semaphore, #tpu.memory_space<semaphore_mem>>
      %dma_start3A_765 = tpu.memref_squeeze %dma_start3A_764 : memref<1x!tpu.dma_semaphore, #tpu.memory_space<semaphore_mem>> -> memref<!tpu.dma_semaphore, #tpu.memory_space<semaphore_mem>>
      %dma_start3A_766 = arith.constant 0 : i32
      %dma_start3A_767 = tpu.memref_slice %arg4[%add3A_755, %dma_start3A_766] : memref<4096x12800xf32, #tpu.memory_space<hbm>> -> memref<1x12800xf32, #tpu.memory_space<hbm>>
      %dma_start3A_768 = tpu.memref_squeeze %dma_start3A_767 : memref<1x12800xf32, #tpu.memory_space<hbm>> -> memref<12800xf32, #tpu.memory_space<hbm>>
      %dma_start3A_769 = arith.constant 0 : i32
      %dma_start3A_770 = tpu.memref_slice %arg7[%dma_start3A_756, %dma_start3A_769] : memref<4x12800xf32, #tpu.memory_space<vmem>> -> memref<1x12800xf32, #tpu.memory_space<vmem>>
      %dma_start3A_771 = tpu.memref_squeeze %dma_start3A_770 : memref<1x12800xf32, #tpu.memory_space<vmem>> -> memref<12800xf32, #tpu.memory_space<vmem>>
      tpu.enqueue_dma source(%dma_start3A_771 : memref<12800xf32, #tpu.memory_space<vmem>>) target(%dma_start3A_768 : memref<12800xf32, #tpu.memory_space<hbm>>) target_semaphore(%dma_start3A_765 : memref<!tpu.dma_semaphore, #tpu.memory_space<semaphore_mem>>)
      %add3A_772 = arith.constant 4 : i32
      %add3A_773 = arith.addi %add3A_704, %add3A_772 : i32
      %add3A_774 = arith.addi %mul3A_2, %add3A_773 : i32
      %dma_start3A_775 = arith.constant 0 : i32
      %dma_start3A_776 = arith.constant 0 : i32
      %dma_start3A_777 = arith.constant 0 : i32
      %dma_start3A_778 = tpu.memref_slice %arg6[%dma_start3A_775, %dma_start3A_777] : memref<4x12800xf32, #tpu.memory_space<vmem>> -> memref<1x12800xf32, #tpu.memory_space<vmem>>
      %dma_start3A_779 = tpu.memref_squeeze %dma_start3A_778 : memref<1x12800xf32, #tpu.memory_space<vmem>> -> memref<12800xf32, #tpu.memory_space<vmem>>
      %dma_start3A_780 = arith.constant 0 : i32
      %dma_start3A_781 = tpu.memref_slice %arg2[%add3A_774, %dma_start3A_780] : memref<4096x12800xf32, #tpu.memory_space<hbm>> -> memref<1x12800xf32, #tpu.memory_space<hbm>>
      %dma_start3A_782 = tpu.memref_squeeze %dma_start3A_781 : memref<1x12800xf32, #tpu.memory_space<hbm>> -> memref<12800xf32, #tpu.memory_space<hbm>>
      %dma_start3A_783 = tpu.memref_slice %arg8[%dma_start3A_776] : memref<4x!tpu.dma_semaphore, #tpu.memory_space<semaphore_mem>> -> memref<1x!tpu.dma_semaphore, #tpu.memory_space<semaphore_mem>>
      %dma_start3A_784 = tpu.memref_squeeze %dma_start3A_783 : memref<1x!tpu.dma_semaphore, #tpu.memory_space<semaphore_mem>> -> memref<!tpu.dma_semaphore, #tpu.memory_space<semaphore_mem>>
      %dma_start3A_785 = arith.constant 0 : i32
      %dma_start3A_786 = tpu.memref_slice %arg6[%dma_start3A_775, %dma_start3A_785] : memref<4x12800xf32, #tpu.memory_space<vmem>> -> memref<1x12800xf32, #tpu.memory_space<vmem>>
      %dma_start3A_787 = tpu.memref_squeeze %dma_start3A_786 : memref<1x12800xf32, #tpu.memory_space<vmem>> -> memref<12800xf32, #tpu.memory_space<vmem>>
      %dma_start3A_788 = arith.constant 0 : i32
      %dma_start3A_789 = tpu.memref_slice %arg2[%add3A_774, %dma_start3A_788] : memref<4096x12800xf32, #tpu.memory_space<hbm>> -> memref<1x12800xf32, #tpu.memory_space<hbm>>
      %dma_start3A_790 = tpu.memref_squeeze %dma_start3A_789 : memref<1x12800xf32, #tpu.memory_space<hbm>> -> memref<12800xf32, #tpu.memory_space<hbm>>
      tpu.enqueue_dma source(%dma_start3A_790 : memref<12800xf32, #tpu.memory_space<hbm>>) target(%dma_start3A_787 : memref<12800xf32, #tpu.memory_space<vmem>>) target_semaphore(%dma_start3A_784 : memref<!tpu.dma_semaphore, #tpu.memory_space<semaphore_mem>>)
      %add3A_791 = arith.constant 1 : i32
      %add3A_792 = arith.addi %mul3A_702, %add3A_791 : i32
      %add3A_793 = arith.addi %mul3A_2, %add3A_792 : i32
      %dma_wait3A_794 = arith.constant 1 : i32
      %dma_wait3A_795 = arith.constant 1 : i32
      %dma_wait3A_796 = arith.constant 0 : i32
      %dma_wait3A_797 = tpu.memref_slice %arg6[%dma_wait3A_794, %dma_wait3A_796] : memref<4x12800xf32, #tpu.memory_space<vmem>> -> memref<1x12800xf32, #tpu.memory_space<vmem>>
      %dma_wait3A_798 = tpu.memref_squeeze %dma_wait3A_797 : memref<1x12800xf32, #tpu.memory_space<vmem>> -> memref<12800xf32, #tpu.memory_space<vmem>>
      %dma_wait3A_799 = arith.constant 0 : i32
      %dma_wait3A_800 = tpu.memref_slice %arg2[%add3A_793, %dma_wait3A_799] : memref<4096x12800xf32, #tpu.memory_space<hbm>> -> memref<1x12800xf32, #tpu.memory_space<hbm>>
      %dma_wait3A_801 = tpu.memref_squeeze %dma_wait3A_800 : memref<1x12800xf32, #tpu.memory_space<hbm>> -> memref<12800xf32, #tpu.memory_space<hbm>>
      %dma_wait3A_802 = tpu.memref_slice %arg8[%dma_wait3A_795] : memref<4x!tpu.dma_semaphore, #tpu.memory_space<semaphore_mem>> -> memref<1x!tpu.dma_semaphore, #tpu.memory_space<semaphore_mem>>
      %dma_wait3A_803 = tpu.memref_squeeze %dma_wait3A_802 : memref<1x!tpu.dma_semaphore, #tpu.memory_space<semaphore_mem>> -> memref<!tpu.dma_semaphore, #tpu.memory_space<semaphore_mem>>
      %dma_wait3A_804 = arith.constant 0 : i32
      %dma_wait3A_805 = tpu.memref_slice %arg6[%dma_wait3A_794, %dma_wait3A_804] : memref<4x12800xf32, #tpu.memory_space<vmem>> -> memref<1x12800xf32, #tpu.memory_space<vmem>>
      %dma_wait3A_806 = tpu.memref_squeeze %dma_wait3A_805 : memref<1x12800xf32, #tpu.memory_space<vmem>> -> memref<12800xf32, #tpu.memory_space<vmem>>
      %dma_wait3A_807 = arith.constant 0 : i32
      %dma_wait3A_808 = tpu.memref_slice %arg2[%add3A_793, %dma_wait3A_807] : memref<4096x12800xf32, #tpu.memory_space<hbm>> -> memref<1x12800xf32, #tpu.memory_space<hbm>>
      %dma_wait3A_809 = tpu.memref_squeeze %dma_wait3A_808 : memref<1x12800xf32, #tpu.memory_space<hbm>> -> memref<12800xf32, #tpu.memory_space<hbm>>
      tpu.wait_dma2 semaphore(%dma_wait3A_803 : memref<!tpu.dma_semaphore, #tpu.memory_space<semaphore_mem>>) src(%dma_wait3A_809 : memref<12800xf32, #tpu.memory_space<hbm>>) dst(%dma_wait3A_806 : memref<12800xf32, #tpu.memory_space<vmem>>)
      %sub3A_810 = arith.constant 4 : i32
      %sub3A_811 = arith.subi %add3A_792, %sub3A_810 : i32
      %add3A_812 = arith.addi %mul3A_2, %sub3A_811 : i32
      %dma_wait3A_813 = arith.constant 1 : i32
      %dma_wait3A_814 = arith.constant 1 : i32
      %dma_wait3A_815 = arith.constant 0 : i32
      %dma_wait3A_816 = tpu.memref_slice %arg7[%dma_wait3A_813, %dma_wait3A_815] : memref<4x12800xf32, #tpu.memory_space<vmem>> -> memref<1x12800xf32, #tpu.memory_space<vmem>>
      %dma_wait3A_817 = tpu.memref_squeeze %dma_wait3A_816 : memref<1x12800xf32, #tpu.memory_space<vmem>> -> memref<12800xf32, #tpu.memory_space<vmem>>
      %dma_wait3A_818 = arith.constant 0 : i32
      %dma_wait3A_819 = tpu.memref_slice %arg4[%add3A_812, %dma_wait3A_818] : memref<4096x12800xf32, #tpu.memory_space<hbm>> -> memref<1x12800xf32, #tpu.memory_space<hbm>>
      %dma_wait3A_820 = tpu.memref_squeeze %dma_wait3A_819 : memref<1x12800xf32, #tpu.memory_space<hbm>> -> memref<12800xf32, #tpu.memory_space<hbm>>
      %dma_wait3A_821 = tpu.memref_slice %arg9[%dma_wait3A_814] : memref<4x!tpu.dma_semaphore, #tpu.memory_space<semaphore_mem>> -> memref<1x!tpu.dma_semaphore, #tpu.memory_space<semaphore_mem>>
      %dma_wait3A_822 = tpu.memref_squeeze %dma_wait3A_821 : memref<1x!tpu.dma_semaphore, #tpu.memory_space<semaphore_mem>> -> memref<!tpu.dma_semaphore, #tpu.memory_space<semaphore_mem>>
      %dma_wait3A_823 = arith.constant 0 : i32
      %dma_wait3A_824 = tpu.memref_slice %arg4[%add3A_812, %dma_wait3A_823] : memref<4096x12800xf32, #tpu.memory_space<hbm>> -> memref<1x12800xf32, #tpu.memory_space<hbm>>
      %dma_wait3A_825 = tpu.memref_squeeze %dma_wait3A_824 : memref<1x12800xf32, #tpu.memory_space<hbm>> -> memref<12800xf32, #tpu.memory_space<hbm>>
      %dma_wait3A_826 = arith.constant 0 : i32
      %dma_wait3A_827 = tpu.memref_slice %arg7[%dma_wait3A_813, %dma_wait3A_826] : memref<4x12800xf32, #tpu.memory_space<vmem>> -> memref<1x12800xf32, #tpu.memory_space<vmem>>
      %dma_wait3A_828 = tpu.memref_squeeze %dma_wait3A_827 : memref<1x12800xf32, #tpu.memory_space<vmem>> -> memref<12800xf32, #tpu.memory_space<vmem>>
      tpu.wait_dma2 semaphore(%dma_wait3A_822 : memref<!tpu.dma_semaphore, #tpu.memory_space<semaphore_mem>>) src(%dma_wait3A_828 : memref<12800xf32, #tpu.memory_space<vmem>>) dst(%dma_wait3A_825 : memref<12800xf32, #tpu.memory_space<hbm>>)
      %get3A_829 = arith.constant 1 : i32
      %get3A_830 = arith.index_cast %get3A_829 : i32 to index
      %get3A_831 = arith.constant 0 : index
      %get3A_832 = tpu.vector_load %arg6[%get3A_830, %get3A_831] {strides = array<i32>} : memref<4x12800xf32, #tpu.memory_space<vmem>>, vector<1x16xf32>,
      %get3A_833 = vector.shape_cast %get3A_832 : vector<1x16xf32> to vector<16xf32>
      %get3A_834 = arith.constant 0 : index
      %get3A_835 = tpu.vector_load %arg5[%get3A_834] {strides = array<i32>} : memref<12800xf32, #tpu.memory_space<vmem>>, vector<16xf32>,
      %get3A_836 = vector.shape_cast %get3A_835 : vector<16xf32> to vector<16xf32>
      %add3A_837 = arith.addf %get3A_833, %get3A_836 : vector<16xf32>
      %swap3A_838 = arith.constant 1 : i32
      %swap3A_839 = arith.index_cast %swap3A_838 : i32 to index
      %swap3A_840 = arith.constant 0 : index
      %swap3A_841 = tpu.vector_load %arg7[%swap3A_839, %swap3A_840] {strides = array<i32>} : memref<4x12800xf32, #tpu.memory_space<vmem>>, vector<1x16xf32>,
      %swap3A_842 = vector.shape_cast %swap3A_841 : vector<1x16xf32> to vector<16xf32>
      %swap3A_843 = vector.shape_cast %add3A_837 : vector<16xf32> to vector<1x16xf32>
      tpu.vector_store %arg7[%swap3A_839, %swap3A_840], %swap3A_843 {strides = array<i32>} : memref<4x12800xf32, #tpu.memory_space<vmem>>, vector<1x16xf32>,
      %add3A_844 = arith.addi %mul3A_2, %add3A_792 : i32
      %dma_start3A_845 = arith.constant 1 : i32
      %dma_start3A_846 = arith.constant 1 : i32
      %dma_start3A_847 = arith.constant 0 : i32
      %dma_start3A_848 = tpu.memref_slice %arg7[%dma_start3A_845, %dma_start3A_847] : memref<4x12800xf32, #tpu.memory_space<vmem>> -> memref<1x12800xf32, #tpu.memory_space<vmem>>
      %dma_start3A_849 = tpu.memref_squeeze %dma_start3A_848 : memref<1x12800xf32, #tpu.memory_space<vmem>> -> memref<12800xf32, #tpu.memory_space<vmem>>
      %dma_start3A_850 = arith.constant 0 : i32
      %dma_start3A_851 = tpu.memref_slice %arg4[%add3A_844, %dma_start3A_850] : memref<4096x12800xf32, #tpu.memory_space<hbm>> -> memref<1x12800xf32, #tpu.memory_space<hbm>>
      %dma_start3A_852 = tpu.memref_squeeze %dma_start3A_851 : memref<1x12800xf32, #tpu.memory_space<hbm>> -> memref<12800xf32, #tpu.memory_space<hbm>>
      %dma_start3A_853 = tpu.memref_slice %arg9[%dma_start3A_846] : memref<4x!tpu.dma_semaphore, #tpu.memory_space<semaphore_mem>> -> memref<1x!tpu.dma_semaphore, #tpu.memory_space<semaphore_mem>>
      %dma_start3A_854 = tpu.memref_squeeze %dma_start3A_853 : memref<1x!tpu.dma_semaphore, #tpu.memory_space<semaphore_mem>> -> memref<!tpu.dma_semaphore, #tpu.memory_space<semaphore_mem>>
      %dma_start3A_855 = arith.constant 0 : i32
      %dma_start3A_856 = tpu.memref_slice %arg4[%add3A_844, %dma_start3A_855] : memref<4096x12800xf32, #tpu.memory_space<hbm>> -> memref<1x12800xf32, #tpu.memory_space<hbm>>
      %dma_start3A_857 = tpu.memref_squeeze %dma_start3A_856 : memref<1x12800xf32, #tpu.memory_space<hbm>> -> memref<12800xf32, #tpu.memory_space<hbm>>
      %dma_start3A_858 = arith.constant 0 : i32
      %dma_start3A_859 = tpu.memref_slice %arg7[%dma_start3A_845, %dma_start3A_858] : memref<4x12800xf32, #tpu.memory_space<vmem>> -> memref<1x12800xf32, #tpu.memory_space<vmem>>
      %dma_start3A_860 = tpu.memref_squeeze %dma_start3A_859 : memref<1x12800xf32, #tpu.memory_space<vmem>> -> memref<12800xf32, #tpu.memory_space<vmem>>
      tpu.enqueue_dma source(%dma_start3A_860 : memref<12800xf32, #tpu.memory_space<vmem>>) target(%dma_start3A_857 : memref<12800xf32, #tpu.memory_space<hbm>>) target_semaphore(%dma_start3A_854 : memref<!tpu.dma_semaphore, #tpu.memory_space<semaphore_mem>>)
      %add3A_861 = arith.constant 4 : i32
      %add3A_862 = arith.addi %add3A_792, %add3A_861 : i32
      %add3A_863 = arith.addi %mul3A_2, %add3A_862 : i32
      %dma_start3A_864 = arith.constant 1 : i32
      %dma_start3A_865 = arith.constant 1 : i32
      %dma_start3A_866 = arith.constant 0 : i32
      %dma_start3A_867 = tpu.memref_slice %arg6[%dma_start3A_864, %dma_start3A_866] : memref<4x12800xf32, #tpu.memory_space<vmem>> -> memref<1x12800xf32, #tpu.memory_space<vmem>>
      %dma_start3A_868 = tpu.memref_squeeze %dma_start3A_867 : memref<1x12800xf32, #tpu.memory_space<vmem>> -> memref<12800xf32, #tpu.memory_space<vmem>>
      %dma_start3A_869 = arith.constant 0 : i32
      %dma_start3A_870 = tpu.memref_slice %arg2[%add3A_863, %dma_start3A_869] : memref<4096x12800xf32, #tpu.memory_space<hbm>> -> memref<1x12800xf32, #tpu.memory_space<hbm>>
      %dma_start3A_871 = tpu.memref_squeeze %dma_start3A_870 : memref<1x12800xf32, #tpu.memory_space<hbm>> -> memref<12800xf32, #tpu.memory_space<hbm>>
      %dma_start3A_872 = tpu.memref_slice %arg8[%dma_start3A_865] : memref<4x!tpu.dma_semaphore, #tpu.memory_space<semaphore_mem>> -> memref<1x!tpu.dma_semaphore, #tpu.memory_space<semaphore_mem>>
      %dma_start3A_873 = tpu.memref_squeeze %dma_start3A_872 : memref<1x!tpu.dma_semaphore, #tpu.memory_space<semaphore_mem>> -> memref<!tpu.dma_semaphore, #tpu.memory_space<semaphore_mem>>
      %dma_start3A_874 = arith.constant 0 : i32
      %dma_start3A_875 = tpu.memref_slice %arg6[%dma_start3A_864, %dma_start3A_874] : memref<4x12800xf32, #tpu.memory_space<vmem>> -> memref<1x12800xf32, #tpu.memory_space<vmem>>
      %dma_start3A_876 = tpu.memref_squeeze %dma_start3A_875 : memref<1x12800xf32, #tpu.memory_space<vmem>> -> memref<12800xf32, #tpu.memory_space<vmem>>
      %dma_start3A_877 = arith.constant 0 : i32
      %dma_start3A_878 = tpu.memref_slice %arg2[%add3A_863, %dma_start3A_877] : memref<4096x12800xf32, #tpu.memory_space<hbm>> -> memref<1x12800xf32, #tpu.memory_space<hbm>>
      %dma_start3A_879 = tpu.memref_squeeze %dma_start3A_878 : memref<1x12800xf32, #tpu.memory_space<hbm>> -> memref<12800xf32, #tpu.memory_space<hbm>>
      tpu.enqueue_dma source(%dma_start3A_879 : memref<12800xf32, #tpu.memory_space<hbm>>) target(%dma_start3A_876 : memref<12800xf32, #tpu.memory_space<vmem>>) target_semaphore(%dma_start3A_873 : memref<!tpu.dma_semaphore, #tpu.memory_space<semaphore_mem>>)
      %add3A_880 = arith.constant 2 : i32
      %add3A_881 = arith.addi %mul3A_702, %add3A_880 : i32
      %add3A_882 = arith.addi %mul3A_2, %add3A_881 : i32
      %dma_wait3A_883 = arith.constant 2 : i32
      %dma_wait3A_884 = arith.constant 2 : i32
      %dma_wait3A_885 = arith.constant 0 : i32
      %dma_wait3A_886 = tpu.memref_slice %arg6[%dma_wait3A_883, %dma_wait3A_885] : memref<4x12800xf32, #tpu.memory_space<vmem>> -> memref<1x12800xf32, #tpu.memory_space<vmem>>
      %dma_wait3A_887 = tpu.memref_squeeze %dma_wait3A_886 : memref<1x12800xf32, #tpu.memory_space<vmem>> -> memref<12800xf32, #tpu.memory_space<vmem>>
      %dma_wait3A_888 = arith.constant 0 : i32
      %dma_wait3A_889 = tpu.memref_slice %arg2[%add3A_882, %dma_wait3A_888] : memref<4096x12800xf32, #tpu.memory_space<hbm>> -> memref<1x12800xf32, #tpu.memory_space<hbm>>
      %dma_wait3A_890 = tpu.memref_squeeze %dma_wait3A_889 : memref<1x12800xf32, #tpu.memory_space<hbm>> -> memref<12800xf32, #tpu.memory_space<hbm>>
      %dma_wait3A_891 = tpu.memref_slice %arg8[%dma_wait3A_884] : memref<4x!tpu.dma_semaphore, #tpu.memory_space<semaphore_mem>> -> memref<1x!tpu.dma_semaphore, #tpu.memory_space<semaphore_mem>>
      %dma_wait3A_892 = tpu.memref_squeeze %dma_wait3A_891 : memref<1x!tpu.dma_semaphore, #tpu.memory_space<semaphore_mem>> -> memref<!tpu.dma_semaphore, #tpu.memory_space<semaphore_mem>>
      %dma_wait3A_893 = arith.constant 0 : i32
      %dma_wait3A_894 = tpu.memref_slice %arg6[%dma_wait3A_883, %dma_wait3A_893] : memref<4x12800xf32, #tpu.memory_space<vmem>> -> memref<1x12800xf32, #tpu.memory_space<vmem>>
      %dma_wait3A_895 = tpu.memref_squeeze %dma_wait3A_894 : memref<1x12800xf32, #tpu.memory_space<vmem>> -> memref<12800xf32, #tpu.memory_space<vmem>>
      %dma_wait3A_896 = arith.constant 0 : i32
      %dma_wait3A_897 = tpu.memref_slice %arg2[%add3A_882, %dma_wait3A_896] : memref<4096x12800xf32, #tpu.memory_space<hbm>> -> memref<1x12800xf32, #tpu.memory_space<hbm>>
      %dma_wait3A_898 = tpu.memref_squeeze %dma_wait3A_897 : memref<1x12800xf32, #tpu.memory_space<hbm>> -> memref<12800xf32, #tpu.memory_space<hbm>>
      tpu.wait_dma2 semaphore(%dma_wait3A_892 : memref<!tpu.dma_semaphore, #tpu.memory_space<semaphore_mem>>) src(%dma_wait3A_898 : memref<12800xf32, #tpu.memory_space<hbm>>) dst(%dma_wait3A_895 : memref<12800xf32, #tpu.memory_space<vmem>>)
      %sub3A_899 = arith.constant 4 : i32
      %sub3A_900 = arith.subi %add3A_881, %sub3A_899 : i32
      %add3A_901 = arith.addi %mul3A_2, %sub3A_900 : i32
      %dma_wait3A_902 = arith.constant 2 : i32
      %dma_wait3A_903 = arith.constant 2 : i32
      %dma_wait3A_904 = arith.constant 0 : i32
      %dma_wait3A_905 = tpu.memref_slice %arg7[%dma_wait3A_902, %dma_wait3A_904] : memref<4x12800xf32, #tpu.memory_space<vmem>> -> memref<1x12800xf32, #tpu.memory_space<vmem>>
      %dma_wait3A_906 = tpu.memref_squeeze %dma_wait3A_905 : memref<1x12800xf32, #tpu.memory_space<vmem>> -> memref<12800xf32, #tpu.memory_space<vmem>>
      %dma_wait3A_907 = arith.constant 0 : i32
      %dma_wait3A_908 = tpu.memref_slice %arg4[%add3A_901, %dma_wait3A_907] : memref<4096x12800xf32, #tpu.memory_space<hbm>> -> memref<1x12800xf32, #tpu.memory_space<hbm>>
      %dma_wait3A_909 = tpu.memref_squeeze %dma_wait3A_908 : memref<1x12800xf32, #tpu.memory_space<hbm>> -> memref<12800xf32, #tpu.memory_space<hbm>>
      %dma_wait3A_910 = tpu.memref_slice %arg9[%dma_wait3A_903] : memref<4x!tpu.dma_semaphore, #tpu.memory_space<semaphore_mem>> -> memref<1x!tpu.dma_semaphore, #tpu.memory_space<semaphore_mem>>
      %dma_wait3A_911 = tpu.memref_squeeze %dma_wait3A_910 : memref<1x!tpu.dma_semaphore, #tpu.memory_space<semaphore_mem>> -> memref<!tpu.dma_semaphore, #tpu.memory_space<semaphore_mem>>
      %dma_wait3A_912 = arith.constant 0 : i32
      %dma_wait3A_913 = tpu.memref_slice %arg4[%add3A_901, %dma_wait3A_912] : memref<4096x12800xf32, #tpu.memory_space<hbm>> -> memref<1x12800xf32, #tpu.memory_space<hbm>>
      %dma_wait3A_914 = tpu.memref_squeeze %dma_wait3A_913 : memref<1x12800xf32, #tpu.memory_space<hbm>> -> memref<12800xf32, #tpu.memory_space<hbm>>
      %dma_wait3A_915 = arith.constant 0 : i32
      %dma_wait3A_916 = tpu.memref_slice %arg7[%dma_wait3A_902, %dma_wait3A_915] : memref<4x12800xf32, #tpu.memory_space<vmem>> -> memref<1x12800xf32, #tpu.memory_space<vmem>>
      %dma_wait3A_917 = tpu.memref_squeeze %dma_wait3A_916 : memref<1x12800xf32, #tpu.memory_space<vmem>> -> memref<12800xf32, #tpu.memory_space<vmem>>
      tpu.wait_dma2 semaphore(%dma_wait3A_911 : memref<!tpu.dma_semaphore, #tpu.memory_space<semaphore_mem>>) src(%dma_wait3A_917 : memref<12800xf32, #tpu.memory_space<vmem>>) dst(%dma_wait3A_914 : memref<12800xf32, #tpu.memory_space<hbm>>)
      %get3A_918 = arith.constant 2 : i32
      %get3A_919 = arith.index_cast %get3A_918 : i32 to index
      %get3A_920 = arith.constant 0 : index
      %get3A_921 = tpu.vector_load %arg6[%get3A_919, %get3A_920] {strides = array<i32>} : memref<4x12800xf32, #tpu.memory_space<vmem>>, vector<1x16xf32>,
      %get3A_922 = vector.shape_cast %get3A_921 : vector<1x16xf32> to vector<16xf32>
      %get3A_923 = arith.constant 0 : index
      %get3A_924 = tpu.vector_load %arg5[%get3A_923] {strides = array<i32>} : memref<12800xf32, #tpu.memory_space<vmem>>, vector<16xf32>,
      %get3A_925 = vector.shape_cast %get3A_924 : vector<16xf32> to vector<16xf32>
      %add3A_926 = arith.addf %get3A_922, %get3A_925 : vector<16xf32>
      %swap3A_927 = arith.constant 2 : i32
      %swap3A_928 = arith.index_cast %swap3A_927 : i32 to index
      %swap3A_929 = arith.constant 0 : index
      %swap3A_930 = tpu.vector_load %arg7[%swap3A_928, %swap3A_929] {strides = array<i32>} : memref<4x12800xf32, #tpu.memory_space<vmem>>, vector<1x16xf32>,
      %swap3A_931 = vector.shape_cast %swap3A_930 : vector<1x16xf32> to vector<16xf32>
      %swap3A_932 = vector.shape_cast %add3A_926 : vector<16xf32> to vector<1x16xf32>
      tpu.vector_store %arg7[%swap3A_928, %swap3A_929], %swap3A_932 {strides = array<i32>} : memref<4x12800xf32, #tpu.memory_space<vmem>>, vector<1x16xf32>,
      %add3A_933 = arith.addi %mul3A_2, %add3A_881 : i32
      %dma_start3A_934 = arith.constant 2 : i32
      %dma_start3A_935 = arith.constant 2 : i32
      %dma_start3A_936 = arith.constant 0 : i32
      %dma_start3A_937 = tpu.memref_slice %arg7[%dma_start3A_934, %dma_start3A_936] : memref<4x12800xf32, #tpu.memory_space<vmem>> -> memref<1x12800xf32, #tpu.memory_space<vmem>>
      %dma_start3A_938 = tpu.memref_squeeze %dma_start3A_937 : memref<1x12800xf32, #tpu.memory_space<vmem>> -> memref<12800xf32, #tpu.memory_space<vmem>>
      %dma_start3A_939 = arith.constant 0 : i32
      %dma_start3A_940 = tpu.memref_slice %arg4[%add3A_933, %dma_start3A_939] : memref<4096x12800xf32, #tpu.memory_space<hbm>> -> memref<1x12800xf32, #tpu.memory_space<hbm>>
      %dma_start3A_941 = tpu.memref_squeeze %dma_start3A_940 : memref<1x12800xf32, #tpu.memory_space<hbm>> -> memref<12800xf32, #tpu.memory_space<hbm>>
      %dma_start3A_942 = tpu.memref_slice %arg9[%dma_start3A_935] : memref<4x!tpu.dma_semaphore, #tpu.memory_space<semaphore_mem>> -> memref<1x!tpu.dma_semaphore, #tpu.memory_space<semaphore_mem>>
      %dma_start3A_943 = tpu.memref_squeeze %dma_start3A_942 : memref<1x!tpu.dma_semaphore, #tpu.memory_space<semaphore_mem>> -> memref<!tpu.dma_semaphore, #tpu.memory_space<semaphore_mem>>
      %dma_start3A_944 = arith.constant 0 : i32
      %dma_start3A_945 = tpu.memref_slice %arg4[%add3A_933, %dma_start3A_944] : memref<4096x12800xf32, #tpu.memory_space<hbm>> -> memref<1x12800xf32, #tpu.memory_space<hbm>>
      %dma_start3A_946 = tpu.memref_squeeze %dma_start3A_945 : memref<1x12800xf32, #tpu.memory_space<hbm>> -> memref<12800xf32, #tpu.memory_space<hbm>>
      %dma_start3A_947 = arith.constant 0 : i32
      %dma_start3A_948 = tpu.memref_slice %arg7[%dma_start3A_934, %dma_start3A_947] : memref<4x12800xf32, #tpu.memory_space<vmem>> -> memref<1x12800xf32, #tpu.memory_space<vmem>>
      %dma_start3A_949 = tpu.memref_squeeze %dma_start3A_948 : memref<1x12800xf32, #tpu.memory_space<vmem>> -> memref<12800xf32, #tpu.memory_space<vmem>>
      tpu.enqueue_dma source(%dma_start3A_949 : memref<12800xf32, #tpu.memory_space<vmem>>) target(%dma_start3A_946 : memref<12800xf32, #tpu.memory_space<hbm>>) target_semaphore(%dma_start3A_943 : memref<!tpu.dma_semaphore, #tpu.memory_space<semaphore_mem>>)
      %add3A_950 = arith.constant 4 : i32
      %add3A_951 = arith.addi %add3A_881, %add3A_950 : i32
      %add3A_952 = arith.addi %mul3A_2, %add3A_951 : i32
      %dma_start3A_953 = arith.constant 2 : i32
      %dma_start3A_954 = arith.constant 2 : i32
      %dma_start3A_955 = arith.constant 0 : i32
      %dma_start3A_956 = tpu.memref_slice %arg6[%dma_start3A_953, %dma_start3A_955] : memref<4x12800xf32, #tpu.memory_space<vmem>> -> memref<1x12800xf32, #tpu.memory_space<vmem>>
      %dma_start3A_957 = tpu.memref_squeeze %dma_start3A_956 : memref<1x12800xf32, #tpu.memory_space<vmem>> -> memref<12800xf32, #tpu.memory_space<vmem>>
      %dma_start3A_958 = arith.constant 0 : i32
      %dma_start3A_959 = tpu.memref_slice %arg2[%add3A_952, %dma_start3A_958] : memref<4096x12800xf32, #tpu.memory_space<hbm>> -> memref<1x12800xf32, #tpu.memory_space<hbm>>
      %dma_start3A_960 = tpu.memref_squeeze %dma_start3A_959 : memref<1x12800xf32, #tpu.memory_space<hbm>> -> memref<12800xf32, #tpu.memory_space<hbm>>
      %dma_start3A_961 = tpu.memref_slice %arg8[%dma_start3A_954] : memref<4x!tpu.dma_semaphore, #tpu.memory_space<semaphore_mem>> -> memref<1x!tpu.dma_semaphore, #tpu.memory_space<semaphore_mem>>
      %dma_start3A_962 = tpu.memref_squeeze %dma_start3A_961 : memref<1x!tpu.dma_semaphore, #tpu.memory_space<semaphore_mem>> -> memref<!tpu.dma_semaphore, #tpu.memory_space<semaphore_mem>>
      %dma_start3A_963 = arith.constant 0 : i32
      %dma_start3A_964 = tpu.memref_slice %arg6[%dma_start3A_953, %dma_start3A_963] : memref<4x12800xf32, #tpu.memory_space<vmem>> -> memref<1x12800xf32, #tpu.memory_space<vmem>>
      %dma_start3A_965 = tpu.memref_squeeze %dma_start3A_964 : memref<1x12800xf32, #tpu.memory_space<vmem>> -> memref<12800xf32, #tpu.memory_space<vmem>>
      %dma_start3A_966 = arith.constant 0 : i32
      %dma_start3A_967 = tpu.memref_slice %arg2[%add3A_952, %dma_start3A_966] : memref<4096x12800xf32, #tpu.memory_space<hbm>> -> memref<1x12800xf32, #tpu.memory_space<hbm>>
      %dma_start3A_968 = tpu.memref_squeeze %dma_start3A_967 : memref<1x12800xf32, #tpu.memory_space<hbm>> -> memref<12800xf32, #tpu.memory_space<hbm>>
      tpu.enqueue_dma source(%dma_start3A_968 : memref<12800xf32, #tpu.memory_space<hbm>>) target(%dma_start3A_965 : memref<12800xf32, #tpu.memory_space<vmem>>) target_semaphore(%dma_start3A_962 : memref<!tpu.dma_semaphore, #tpu.memory_space<semaphore_mem>>)
      %add3A_969 = arith.constant 3 : i32
      %add3A_970 = arith.addi %mul3A_702, %add3A_969 : i32
      %add3A_971 = arith.addi %mul3A_2, %add3A_970 : i32
      %dma_wait3A_972 = arith.constant 3 : i32
      %dma_wait3A_973 = arith.constant 3 : i32
      %dma_wait3A_974 = arith.constant 0 : i32
      %dma_wait3A_975 = tpu.memref_slice %arg6[%dma_wait3A_972, %dma_wait3A_974] : memref<4x12800xf32, #tpu.memory_space<vmem>> -> memref<1x12800xf32, #tpu.memory_space<vmem>>
      %dma_wait3A_976 = tpu.memref_squeeze %dma_wait3A_975 : memref<1x12800xf32, #tpu.memory_space<vmem>> -> memref<12800xf32, #tpu.memory_space<vmem>>
      %dma_wait3A_977 = arith.constant 0 : i32
      %dma_wait3A_978 = tpu.memref_slice %arg2[%add3A_971, %dma_wait3A_977] : memref<4096x12800xf32, #tpu.memory_space<hbm>> -> memref<1x12800xf32, #tpu.memory_space<hbm>>
      %dma_wait3A_979 = tpu.memref_squeeze %dma_wait3A_978 : memref<1x12800xf32, #tpu.memory_space<hbm>> -> memref<12800xf32, #tpu.memory_space<hbm>>
      %dma_wait3A_980 = tpu.memref_slice %arg8[%dma_wait3A_973] : memref<4x!tpu.dma_semaphore, #tpu.memory_space<semaphore_mem>> -> memref<1x!tpu.dma_semaphore, #tpu.memory_space<semaphore_mem>>
      %dma_wait3A_981 = tpu.memref_squeeze %dma_wait3A_980 : memref<1x!tpu.dma_semaphore, #tpu.memory_space<semaphore_mem>> -> memref<!tpu.dma_semaphore, #tpu.memory_space<semaphore_mem>>
      %dma_wait3A_982 = arith.constant 0 : i32
      %dma_wait3A_983 = tpu.memref_slice %arg6[%dma_wait3A_972, %dma_wait3A_982] : memref<4x12800xf32, #tpu.memory_space<vmem>> -> memref<1x12800xf32, #tpu.memory_space<vmem>>
      %dma_wait3A_984 = tpu.memref_squeeze %dma_wait3A_983 : memref<1x12800xf32, #tpu.memory_space<vmem>> -> memref<12800xf32, #tpu.memory_space<vmem>>
      %dma_wait3A_985 = arith.constant 0 : i32
      %dma_wait3A_986 = tpu.memref_slice %arg2[%add3A_971, %dma_wait3A_985] : memref<4096x12800xf32, #tpu.memory_space<hbm>> -> memref<1x12800xf32, #tpu.memory_space<hbm>>
      %dma_wait3A_987 = tpu.memref_squeeze %dma_wait3A_986 : memref<1x12800xf32, #tpu.memory_space<hbm>> -> memref<12800xf32, #tpu.memory_space<hbm>>
      tpu.wait_dma2 semaphore(%dma_wait3A_981 : memref<!tpu.dma_semaphore, #tpu.memory_space<semaphore_mem>>) src(%dma_wait3A_987 : memref<12800xf32, #tpu.memory_space<hbm>>) dst(%dma_wait3A_984 : memref<12800xf32, #tpu.memory_space<vmem>>)
      %sub3A_988 = arith.constant 4 : i32
      %sub3A_989 = arith.subi %add3A_970, %sub3A_988 : i32
      %add3A_990 = arith.addi %mul3A_2, %sub3A_989 : i32
      %dma_wait3A_991 = arith.constant 3 : i32
      %dma_wait3A_992 = arith.constant 3 : i32
      %dma_wait3A_993 = arith.constant 0 : i32
      %dma_wait3A_994 = tpu.memref_slice %arg7[%dma_wait3A_991, %dma_wait3A_993] : memref<4x12800xf32, #tpu.memory_space<vmem>> -> memref<1x12800xf32, #tpu.memory_space<vmem>>
      %dma_wait3A_995 = tpu.memref_squeeze %dma_wait3A_994 : memref<1x12800xf32, #tpu.memory_space<vmem>> -> memref<12800xf32, #tpu.memory_space<vmem>>
      %dma_wait3A_996 = arith.constant 0 : i32
      %dma_wait3A_997 = tpu.memref_slice %arg4[%add3A_990, %dma_wait3A_996] : memref<4096x12800xf32, #tpu.memory_space<hbm>> -> memref<1x12800xf32, #tpu.memory_space<hbm>>
      %dma_wait3A_998 = tpu.memref_squeeze %dma_wait3A_997 : memref<1x12800xf32, #tpu.memory_space<hbm>> -> memref<12800xf32, #tpu.memory_space<hbm>>
      %dma_wait3A_999 = tpu.memref_slice %arg9[%dma_wait3A_992] : memref<4x!tpu.dma_semaphore, #tpu.memory_space<semaphore_mem>> -> memref<1x!tpu.dma_semaphore, #tpu.memory_space<semaphore_mem>>
      %dma_wait3A_1000 = tpu.memref_squeeze %dma_wait3A_999 : memref<1x!tpu.dma_semaphore, #tpu.memory_space<semaphore_mem>> -> memref<!tpu.dma_semaphore, #tpu.memory_space<semaphore_mem>>
      %dma_wait3A_1001 = arith.constant 0 : i32
      %dma_wait3A_1002 = tpu.memref_slice %arg4[%add3A_990, %dma_wait3A_1001] : memref<4096x12800xf32, #tpu.memory_space<hbm>> -> memref<1x12800xf32, #tpu.memory_space<hbm>>
      %dma_wait3A_1003 = tpu.memref_squeeze %dma_wait3A_1002 : memref<1x12800xf32, #tpu.memory_space<hbm>> -> memref<12800xf32, #tpu.memory_space<hbm>>
      %dma_wait3A_1004 = arith.constant 0 : i32
      %dma_wait3A_1005 = tpu.memref_slice %arg7[%dma_wait3A_991, %dma_wait3A_1004] : memref<4x12800xf32, #tpu.memory_space<vmem>> -> memref<1x12800xf32, #tpu.memory_space<vmem>>
      %dma_wait3A_1006 = tpu.memref_squeeze %dma_wait3A_1005 : memref<1x12800xf32, #tpu.memory_space<vmem>> -> memref<12800xf32, #tpu.memory_space<vmem>>
      tpu.wait_dma2 semaphore(%dma_wait3A_1000 : memref<!tpu.dma_semaphore, #tpu.memory_space<semaphore_mem>>) src(%dma_wait3A_1006 : memref<12800xf32, #tpu.memory_space<vmem>>) dst(%dma_wait3A_1003 : memref<12800xf32, #tpu.memory_space<hbm>>)
      %get3A_1007 = arith.constant 3 : i32
      %get3A_1008 = arith.index_cast %get3A_1007 : i32 to index
      %get3A_1009 = arith.constant 0 : index
      %get3A_1010 = tpu.vector_load %arg6[%get3A_1008, %get3A_1009] {strides = array<i32>} : memref<4x12800xf32, #tpu.memory_space<vmem>>, vector<1x16xf32>,
      %get3A_1011 = vector.shape_cast %get3A_1010 : vector<1x16xf32> to vector<16xf32>
      %get3A_1012 = arith.constant 0 : index
      %get3A_1013 = tpu.vector_load %arg5[%get3A_1012] {strides = array<i32>} : memref<12800xf32, #tpu.memory_space<vmem>>, vector<16xf32>,
      %get3A_1014 = vector.shape_cast %get3A_1013 : vector<16xf32> to vector<16xf32>
      %add3A_1015 = arith.addf %get3A_1011, %get3A_1014 : vector<16xf32>
      %swap3A_1016 = arith.constant 3 : i32
      %swap3A_1017 = arith.index_cast %swap3A_1016 : i32 to index
      %swap3A_1018 = arith.constant 0 : index
      %swap3A_1019 = tpu.vector_load %arg7[%swap3A_1017, %swap3A_1018] {strides = array<i32>} : memref<4x12800xf32, #tpu.memory_space<vmem>>, vector<1x16xf32>,
      %swap3A_1020 = vector.shape_cast %swap3A_1019 : vector<1x16xf32> to vector<16xf32>
      %swap3A_1021 = vector.shape_cast %add3A_1015 : vector<16xf32> to vector<1x16xf32>
      tpu.vector_store %arg7[%swap3A_1017, %swap3A_1018], %swap3A_1021 {strides = array<i32>} : memref<4x12800xf32, #tpu.memory_space<vmem>>, vector<1x16xf32>,
      %add3A_1022 = arith.addi %mul3A_2, %add3A_970 : i32
      %dma_start3A_1023 = arith.constant 3 : i32
      %dma_start3A_1024 = arith.constant 3 : i32
      %dma_start3A_1025 = arith.constant 0 : i32
      %dma_start3A_1026 = tpu.memref_slice %arg7[%dma_start3A_1023, %dma_start3A_1025] : memref<4x12800xf32, #tpu.memory_space<vmem>> -> memref<1x12800xf32, #tpu.memory_space<vmem>>
      %dma_start3A_1027 = tpu.memref_squeeze %dma_start3A_1026 : memref<1x12800xf32, #tpu.memory_space<vmem>> -> memref<12800xf32, #tpu.memory_space<vmem>>
      %dma_start3A_1028 = arith.constant 0 : i32
      %dma_start3A_1029 = tpu.memref_slice %arg4[%add3A_1022, %dma_start3A_1028] : memref<4096x12800xf32, #tpu.memory_space<hbm>> -> memref<1x12800xf32, #tpu.memory_space<hbm>>
      %dma_start3A_1030 = tpu.memref_squeeze %dma_start3A_1029 : memref<1x12800xf32, #tpu.memory_space<hbm>> -> memref<12800xf32, #tpu.memory_space<hbm>>
      %dma_start3A_1031 = tpu.memref_slice %arg9[%dma_start3A_1024] : memref<4x!tpu.dma_semaphore, #tpu.memory_space<semaphore_mem>> -> memref<1x!tpu.dma_semaphore, #tpu.memory_space<semaphore_mem>>
      %dma_start3A_1032 = tpu.memref_squeeze %dma_start3A_1031 : memref<1x!tpu.dma_semaphore, #tpu.memory_space<semaphore_mem>> -> memref<!tpu.dma_semaphore, #tpu.memory_space<semaphore_mem>>
      %dma_start3A_1033 = arith.constant 0 : i32
      %dma_start3A_1034 = tpu.memref_slice %arg4[%add3A_1022, %dma_start3A_1033] : memref<4096x12800xf32, #tpu.memory_space<hbm>> -> memref<1x12800xf32, #tpu.memory_space<hbm>>
      %dma_start3A_1035 = tpu.memref_squeeze %dma_start3A_1034 : memref<1x12800xf32, #tpu.memory_space<hbm>> -> memref<12800xf32, #tpu.memory_space<hbm>>
      %dma_start3A_1036 = arith.constant 0 : i32
      %dma_start3A_1037 = tpu.memref_slice %arg7[%dma_start3A_1023, %dma_start3A_1036] : memref<4x12800xf32, #tpu.memory_space<vmem>> -> memref<1x12800xf32, #tpu.memory_space<vmem>>
      %dma_start3A_1038 = tpu.memref_squeeze %dma_start3A_1037 : memref<1x12800xf32, #tpu.memory_space<vmem>> -> memref<12800xf32, #tpu.memory_space<vmem>>
      tpu.enqueue_dma source(%dma_start3A_1038 : memref<12800xf32, #tpu.memory_space<vmem>>) target(%dma_start3A_1035 : memref<12800xf32, #tpu.memory_space<hbm>>) target_semaphore(%dma_start3A_1032 : memref<!tpu.dma_semaphore, #tpu.memory_space<semaphore_mem>>)
      %add3A_1039 = arith.constant 4 : i32
      %add3A_1040 = arith.addi %add3A_970, %add3A_1039 : i32
      %add3A_1041 = arith.addi %mul3A_2, %add3A_1040 : i32
      %dma_start3A_1042 = arith.constant 3 : i32
      %dma_start3A_1043 = arith.constant 3 : i32
      %dma_start3A_1044 = arith.constant 0 : i32
      %dma_start3A_1045 = tpu.memref_slice %arg6[%dma_start3A_1042, %dma_start3A_1044] : memref<4x12800xf32, #tpu.memory_space<vmem>> -> memref<1x12800xf32, #tpu.memory_space<vmem>>
      %dma_start3A_1046 = tpu.memref_squeeze %dma_start3A_1045 : memref<1x12800xf32, #tpu.memory_space<vmem>> -> memref<12800xf32, #tpu.memory_space<vmem>>
      %dma_start3A_1047 = arith.constant 0 : i32
      %dma_start3A_1048 = tpu.memref_slice %arg2[%add3A_1041, %dma_start3A_1047] : memref<4096x12800xf32, #tpu.memory_space<hbm>> -> memref<1x12800xf32, #tpu.memory_space<hbm>>
      %dma_start3A_1049 = tpu.memref_squeeze %dma_start3A_1048 : memref<1x12800xf32, #tpu.memory_space<hbm>> -> memref<12800xf32, #tpu.memory_space<hbm>>
      %dma_start3A_1050 = tpu.memref_slice %arg8[%dma_start3A_1043] : memref<4x!tpu.dma_semaphore, #tpu.memory_space<semaphore_mem>> -> memref<1x!tpu.dma_semaphore, #tpu.memory_space<semaphore_mem>>
      %dma_start3A_1051 = tpu.memref_squeeze %dma_start3A_1050 : memref<1x!tpu.dma_semaphore, #tpu.memory_space<semaphore_mem>> -> memref<!tpu.dma_semaphore, #tpu.memory_space<semaphore_mem>>
      %dma_start3A_1052 = arith.constant 0 : i32
      %dma_start3A_1053 = tpu.memref_slice %arg6[%dma_start3A_1042, %dma_start3A_1052] : memref<4x12800xf32, #tpu.memory_space<vmem>> -> memref<1x12800xf32, #tpu.memory_space<vmem>>
      %dma_start3A_1054 = tpu.memref_squeeze %dma_start3A_1053 : memref<1x12800xf32, #tpu.memory_space<vmem>> -> memref<12800xf32, #tpu.memory_space<vmem>>
      %dma_start3A_1055 = arith.constant 0 : i32
      %dma_start3A_1056 = tpu.memref_slice %arg2[%add3A_1041, %dma_start3A_1055] : memref<4096x12800xf32, #tpu.memory_space<hbm>> -> memref<1x12800xf32, #tpu.memory_space<hbm>>
      %dma_start3A_1057 = tpu.memref_squeeze %dma_start3A_1056 : memref<1x12800xf32, #tpu.memory_space<hbm>> -> memref<12800xf32, #tpu.memory_space<hbm>>
      tpu.enqueue_dma source(%dma_start3A_1057 : memref<12800xf32, #tpu.memory_space<hbm>>) target(%dma_start3A_1054 : memref<12800xf32, #tpu.memory_space<vmem>>) target_semaphore(%dma_start3A_1051 : memref<!tpu.dma_semaphore, #tpu.memory_space<semaphore_mem>>)
    }
    %scan3A_351 = arith.constant 30 : i32
    %add3A_352 = arith.constant 124 : i32
    %add3A_353 = arith.addi %mul3A_2, %add3A_352 : i32
    %dma_wait3A_354 = arith.constant 0 : i32
    %dma_wait3A_355 = arith.constant 0 : i32
    %dma_wait3A_356 = arith.constant 0 : i32
    %dma_wait3A_357 = tpu.memref_slice %arg6[%dma_wait3A_354, %dma_wait3A_356] : memref<4x12800xf32, #tpu.memory_space<vmem>> -> memref<1x12800xf32, #tpu.memory_space<vmem>>
    %dma_wait3A_358 = tpu.memref_squeeze %dma_wait3A_357 : memref<1x12800xf32, #tpu.memory_space<vmem>> -> memref<12800xf32, #tpu.memory_space<vmem>>
    %dma_wait3A_359 = arith.constant 0 : i32
    %dma_wait3A_360 = tpu.memref_slice %arg2[%add3A_353, %dma_wait3A_359] : memref<4096x12800xf32, #tpu.memory_space<hbm>> -> memref<1x12800xf32, #tpu.memory_space<hbm>>
    %dma_wait3A_361 = tpu.memref_squeeze %dma_wait3A_360 : memref<1x12800xf32, #tpu.memory_space<hbm>> -> memref<12800xf32, #tpu.memory_space<hbm>>
    %dma_wait3A_362 = tpu.memref_slice %arg8[%dma_wait3A_355] : memref<4x!tpu.dma_semaphore, #tpu.memory_space<semaphore_mem>> -> memref<1x!tpu.dma_semaphore, #tpu.memory_space<semaphore_mem>>
    %dma_wait3A_363 = tpu.memref_squeeze %dma_wait3A_362 : memref<1x!tpu.dma_semaphore, #tpu.memory_space<semaphore_mem>> -> memref<!tpu.dma_semaphore, #tpu.memory_space<semaphore_mem>>
    %dma_wait3A_364 = arith.constant 0 : i32
    %dma_wait3A_365 = tpu.memref_slice %arg6[%dma_wait3A_354, %dma_wait3A_364] : memref<4x12800xf32, #tpu.memory_space<vmem>> -> memref<1x12800xf32, #tpu.memory_space<vmem>>
    %dma_wait3A_366 = tpu.memref_squeeze %dma_wait3A_365 : memref<1x12800xf32, #tpu.memory_space<vmem>> -> memref<12800xf32, #tpu.memory_space<vmem>>
    %dma_wait3A_367 = arith.constant 0 : i32
    %dma_wait3A_368 = tpu.memref_slice %arg2[%add3A_353, %dma_wait3A_367] : memref<4096x12800xf32, #tpu.memory_space<hbm>> -> memref<1x12800xf32, #tpu.memory_space<hbm>>
    %dma_wait3A_369 = tpu.memref_squeeze %dma_wait3A_368 : memref<1x12800xf32, #tpu.memory_space<hbm>> -> memref<12800xf32, #tpu.memory_space<hbm>>
    tpu.wait_dma2 semaphore(%dma_wait3A_363 : memref<!tpu.dma_semaphore, #tpu.memory_space<semaphore_mem>>) src(%dma_wait3A_369 : memref<12800xf32, #tpu.memory_space<hbm>>) dst(%dma_wait3A_366 : memref<12800xf32, #tpu.memory_space<vmem>>)
    %add3A_370 = arith.constant 120 : i32
    %add3A_371 = arith.addi %mul3A_2, %add3A_370 : i32
    %dma_wait3A_372 = arith.constant 0 : i32
    %dma_wait3A_373 = arith.constant 0 : i32
    %dma_wait3A_374 = arith.constant 0 : i32
    %dma_wait3A_375 = tpu.memref_slice %arg7[%dma_wait3A_372, %dma_wait3A_374] : memref<4x12800xf32, #tpu.memory_space<vmem>> -> memref<1x12800xf32, #tpu.memory_space<vmem>>
    %dma_wait3A_376 = tpu.memref_squeeze %dma_wait3A_375 : memref<1x12800xf32, #tpu.memory_space<vmem>> -> memref<12800xf32, #tpu.memory_space<vmem>>
    %dma_wait3A_377 = arith.constant 0 : i32
    %dma_wait3A_378 = tpu.memref_slice %arg4[%add3A_371, %dma_wait3A_377] : memref<4096x12800xf32, #tpu.memory_space<hbm>> -> memref<1x12800xf32, #tpu.memory_space<hbm>>
    %dma_wait3A_379 = tpu.memref_squeeze %dma_wait3A_378 : memref<1x12800xf32, #tpu.memory_space<hbm>> -> memref<12800xf32, #tpu.memory_space<hbm>>
    %dma_wait3A_380 = tpu.memref_slice %arg9[%dma_wait3A_373] : memref<4x!tpu.dma_semaphore, #tpu.memory_space<semaphore_mem>> -> memref<1x!tpu.dma_semaphore, #tpu.memory_space<semaphore_mem>>
    %dma_wait3A_381 = tpu.memref_squeeze %dma_wait3A_380 : memref<1x!tpu.dma_semaphore, #tpu.memory_space<semaphore_mem>> -> memref<!tpu.dma_semaphore, #tpu.memory_space<semaphore_mem>>
    %dma_wait3A_382 = arith.constant 0 : i32
    %dma_wait3A_383 = tpu.memref_slice %arg4[%add3A_371, %dma_wait3A_382] : memref<4096x12800xf32, #tpu.memory_space<hbm>> -> memref<1x12800xf32, #tpu.memory_space<hbm>>
    %dma_wait3A_384 = tpu.memref_squeeze %dma_wait3A_383 : memref<1x12800xf32, #tpu.memory_space<hbm>> -> memref<12800xf32, #tpu.memory_space<hbm>>
    %dma_wait3A_385 = arith.constant 0 : i32
    %dma_wait3A_386 = tpu.memref_slice %arg7[%dma_wait3A_372, %dma_wait3A_385] : memref<4x12800xf32, #tpu.memory_space<vmem>> -> memref<1x12800xf32, #tpu.memory_space<vmem>>
    %dma_wait3A_387 = tpu.memref_squeeze %dma_wait3A_386 : memref<1x12800xf32, #tpu.memory_space<vmem>> -> memref<12800xf32, #tpu.memory_space<vmem>>
    tpu.wait_dma2 semaphore(%dma_wait3A_381 : memref<!tpu.dma_semaphore, #tpu.memory_space<semaphore_mem>>) src(%dma_wait3A_387 : memref<12800xf32, #tpu.memory_space<vmem>>) dst(%dma_wait3A_384 : memref<12800xf32, #tpu.memory_space<hbm>>)
    %get3A_388 = arith.constant 0 : i32
    %get3A_389 = arith.index_cast %get3A_388 : i32 to index
    %get3A_390 = arith.constant 0 : index
    %get3A_391 = tpu.vector_load %arg6[%get3A_389, %get3A_390] {strides = array<i32>} : memref<4x12800xf32, #tpu.memory_space<vmem>>, vector<1x16xf32>,
    %get3A_392 = vector.shape_cast %get3A_391 : vector<1x16xf32> to vector<16xf32>
    %get3A_393 = arith.constant 0 : index
    %get3A_394 = tpu.vector_load %arg5[%get3A_393] {strides = array<i32>} : memref<12800xf32, #tpu.memory_space<vmem>>, vector<16xf32>,
    %get3A_395 = vector.shape_cast %get3A_394 : vector<16xf32> to vector<16xf32>
    %add3A_396 = arith.addf %get3A_392, %get3A_395 : vector<16xf32>
    %swap3A_397 = arith.constant 0 : i32
    %swap3A_398 = arith.index_cast %swap3A_397 : i32 to index
    %swap3A_399 = arith.constant 0 : index
    %swap3A_400 = tpu.vector_load %arg7[%swap3A_398, %swap3A_399] {strides = array<i32>} : memref<4x12800xf32, #tpu.memory_space<vmem>>, vector<1x16xf32>,
    %swap3A_401 = vector.shape_cast %swap3A_400 : vector<1x16xf32> to vector<16xf32>
    %swap3A_402 = vector.shape_cast %add3A_396 : vector<16xf32> to vector<1x16xf32>
    tpu.vector_store %arg7[%swap3A_398, %swap3A_399], %swap3A_402 {strides = array<i32>} : memref<4x12800xf32, #tpu.memory_space<vmem>>, vector<1x16xf32>,
    %add3A_403 = arith.constant 124 : i32
    %add3A_404 = arith.addi %mul3A_2, %add3A_403 : i32
    %dma_start3A_405 = arith.constant 0 : i32
    %dma_start3A_406 = arith.constant 0 : i32
    %dma_start3A_407 = arith.constant 0 : i32
    %dma_start3A_408 = tpu.memref_slice %arg7[%dma_start3A_405, %dma_start3A_407] : memref<4x12800xf32, #tpu.memory_space<vmem>> -> memref<1x12800xf32, #tpu.memory_space<vmem>>
    %dma_start3A_409 = tpu.memref_squeeze %dma_start3A_408 : memref<1x12800xf32, #tpu.memory_space<vmem>> -> memref<12800xf32, #tpu.memory_space<vmem>>
    %dma_start3A_410 = arith.constant 0 : i32
    %dma_start3A_411 = tpu.memref_slice %arg4[%add3A_404, %dma_start3A_410] : memref<4096x12800xf32, #tpu.memory_space<hbm>> -> memref<1x12800xf32, #tpu.memory_space<hbm>>
    %dma_start3A_412 = tpu.memref_squeeze %dma_start3A_411 : memref<1x12800xf32, #tpu.memory_space<hbm>> -> memref<12800xf32, #tpu.memory_space<hbm>>
    %dma_start3A_413 = tpu.memref_slice %arg9[%dma_start3A_406] : memref<4x!tpu.dma_semaphore, #tpu.memory_space<semaphore_mem>> -> memref<1x!tpu.dma_semaphore, #tpu.memory_space<semaphore_mem>>
    %dma_start3A_414 = tpu.memref_squeeze %dma_start3A_413 : memref<1x!tpu.dma_semaphore, #tpu.memory_space<semaphore_mem>> -> memref<!tpu.dma_semaphore, #tpu.memory_space<semaphore_mem>>
    %dma_start3A_415 = arith.constant 0 : i32
    %dma_start3A_416 = tpu.memref_slice %arg4[%add3A_404, %dma_start3A_415] : memref<4096x12800xf32, #tpu.memory_space<hbm>> -> memref<1x12800xf32, #tpu.memory_space<hbm>>
    %dma_start3A_417 = tpu.memref_squeeze %dma_start3A_416 : memref<1x12800xf32, #tpu.memory_space<hbm>> -> memref<12800xf32, #tpu.memory_space<hbm>>
    %dma_start3A_418 = arith.constant 0 : i32
    %dma_start3A_419 = tpu.memref_slice %arg7[%dma_start3A_405, %dma_start3A_418] : memref<4x12800xf32, #tpu.memory_space<vmem>> -> memref<1x12800xf32, #tpu.memory_space<vmem>>
    %dma_start3A_420 = tpu.memref_squeeze %dma_start3A_419 : memref<1x12800xf32, #tpu.memory_space<vmem>> -> memref<12800xf32, #tpu.memory_space<vmem>>
    tpu.enqueue_dma source(%dma_start3A_420 : memref<12800xf32, #tpu.memory_space<vmem>>) target(%dma_start3A_417 : memref<12800xf32, #tpu.memory_space<hbm>>) target_semaphore(%dma_start3A_414 : memref<!tpu.dma_semaphore, #tpu.memory_space<semaphore_mem>>)
    %add3A_421 = arith.constant 125 : i32
    %add3A_422 = arith.addi %mul3A_2, %add3A_421 : i32
    %dma_wait3A_423 = arith.constant 1 : i32
    %dma_wait3A_424 = arith.constant 1 : i32
    %dma_wait3A_425 = arith.constant 0 : i32
    %dma_wait3A_426 = tpu.memref_slice %arg6[%dma_wait3A_423, %dma_wait3A_425] : memref<4x12800xf32, #tpu.memory_space<vmem>> -> memref<1x12800xf32, #tpu.memory_space<vmem>>
    %dma_wait3A_427 = tpu.memref_squeeze %dma_wait3A_426 : memref<1x12800xf32, #tpu.memory_space<vmem>> -> memref<12800xf32, #tpu.memory_space<vmem>>
    %dma_wait3A_428 = arith.constant 0 : i32
    %dma_wait3A_429 = tpu.memref_slice %arg2[%add3A_422, %dma_wait3A_428] : memref<4096x12800xf32, #tpu.memory_space<hbm>> -> memref<1x12800xf32, #tpu.memory_space<hbm>>
    %dma_wait3A_430 = tpu.memref_squeeze %dma_wait3A_429 : memref<1x12800xf32, #tpu.memory_space<hbm>> -> memref<12800xf32, #tpu.memory_space<hbm>>
    %dma_wait3A_431 = tpu.memref_slice %arg8[%dma_wait3A_424] : memref<4x!tpu.dma_semaphore, #tpu.memory_space<semaphore_mem>> -> memref<1x!tpu.dma_semaphore, #tpu.memory_space<semaphore_mem>>
    %dma_wait3A_432 = tpu.memref_squeeze %dma_wait3A_431 : memref<1x!tpu.dma_semaphore, #tpu.memory_space<semaphore_mem>> -> memref<!tpu.dma_semaphore, #tpu.memory_space<semaphore_mem>>
    %dma_wait3A_433 = arith.constant 0 : i32
    %dma_wait3A_434 = tpu.memref_slice %arg6[%dma_wait3A_423, %dma_wait3A_433] : memref<4x12800xf32, #tpu.memory_space<vmem>> -> memref<1x12800xf32, #tpu.memory_space<vmem>>
    %dma_wait3A_435 = tpu.memref_squeeze %dma_wait3A_434 : memref<1x12800xf32, #tpu.memory_space<vmem>> -> memref<12800xf32, #tpu.memory_space<vmem>>
    %dma_wait3A_436 = arith.constant 0 : i32
    %dma_wait3A_437 = tpu.memref_slice %arg2[%add3A_422, %dma_wait3A_436] : memref<4096x12800xf32, #tpu.memory_space<hbm>> -> memref<1x12800xf32, #tpu.memory_space<hbm>>
    %dma_wait3A_438 = tpu.memref_squeeze %dma_wait3A_437 : memref<1x12800xf32, #tpu.memory_space<hbm>> -> memref<12800xf32, #tpu.memory_space<hbm>>
    tpu.wait_dma2 semaphore(%dma_wait3A_432 : memref<!tpu.dma_semaphore, #tpu.memory_space<semaphore_mem>>) src(%dma_wait3A_438 : memref<12800xf32, #tpu.memory_space<hbm>>) dst(%dma_wait3A_435 : memref<12800xf32, #tpu.memory_space<vmem>>)
    %add3A_439 = arith.constant 121 : i32
    %add3A_440 = arith.addi %mul3A_2, %add3A_439 : i32
    %dma_wait3A_441 = arith.constant 1 : i32
    %dma_wait3A_442 = arith.constant 1 : i32
    %dma_wait3A_443 = arith.constant 0 : i32
    %dma_wait3A_444 = tpu.memref_slice %arg7[%dma_wait3A_441, %dma_wait3A_443] : memref<4x12800xf32, #tpu.memory_space<vmem>> -> memref<1x12800xf32, #tpu.memory_space<vmem>>
    %dma_wait3A_445 = tpu.memref_squeeze %dma_wait3A_444 : memref<1x12800xf32, #tpu.memory_space<vmem>> -> memref<12800xf32, #tpu.memory_space<vmem>>
    %dma_wait3A_446 = arith.constant 0 : i32
    %dma_wait3A_447 = tpu.memref_slice %arg4[%add3A_440, %dma_wait3A_446] : memref<4096x12800xf32, #tpu.memory_space<hbm>> -> memref<1x12800xf32, #tpu.memory_space<hbm>>
    %dma_wait3A_448 = tpu.memref_squeeze %dma_wait3A_447 : memref<1x12800xf32, #tpu.memory_space<hbm>> -> memref<12800xf32, #tpu.memory_space<hbm>>
    %dma_wait3A_449 = tpu.memref_slice %arg9[%dma_wait3A_442] : memref<4x!tpu.dma_semaphore, #tpu.memory_space<semaphore_mem>> -> memref<1x!tpu.dma_semaphore, #tpu.memory_space<semaphore_mem>>
    %dma_wait3A_450 = tpu.memref_squeeze %dma_wait3A_449 : memref<1x!tpu.dma_semaphore, #tpu.memory_space<semaphore_mem>> -> memref<!tpu.dma_semaphore, #tpu.memory_space<semaphore_mem>>
    %dma_wait3A_451 = arith.constant 0 : i32
    %dma_wait3A_452 = tpu.memref_slice %arg4[%add3A_440, %dma_wait3A_451] : memref<4096x12800xf32, #tpu.memory_space<hbm>> -> memref<1x12800xf32, #tpu.memory_space<hbm>>
    %dma_wait3A_453 = tpu.memref_squeeze %dma_wait3A_452 : memref<1x12800xf32, #tpu.memory_space<hbm>> -> memref<12800xf32, #tpu.memory_space<hbm>>
    %dma_wait3A_454 = arith.constant 0 : i32
    %dma_wait3A_455 = tpu.memref_slice %arg7[%dma_wait3A_441, %dma_wait3A_454] : memref<4x12800xf32, #tpu.memory_space<vmem>> -> memref<1x12800xf32, #tpu.memory_space<vmem>>
    %dma_wait3A_456 = tpu.memref_squeeze %dma_wait3A_455 : memref<1x12800xf32, #tpu.memory_space<vmem>> -> memref<12800xf32, #tpu.memory_space<vmem>>
    tpu.wait_dma2 semaphore(%dma_wait3A_450 : memref<!tpu.dma_semaphore, #tpu.memory_space<semaphore_mem>>) src(%dma_wait3A_456 : memref<12800xf32, #tpu.memory_space<vmem>>) dst(%dma_wait3A_453 : memref<12800xf32, #tpu.memory_space<hbm>>)
    %get3A_457 = arith.constant 1 : i32
    %get3A_458 = arith.index_cast %get3A_457 : i32 to index
    %get3A_459 = arith.constant 0 : index
    %get3A_460 = tpu.vector_load %arg6[%get3A_458, %get3A_459] {strides = array<i32>} : memref<4x12800xf32, #tpu.memory_space<vmem>>, vector<1x16xf32>,
    %get3A_461 = vector.shape_cast %get3A_460 : vector<1x16xf32> to vector<16xf32>
    %get3A_462 = arith.constant 0 : index
    %get3A_463 = tpu.vector_load %arg5[%get3A_462] {strides = array<i32>} : memref<12800xf32, #tpu.memory_space<vmem>>, vector<16xf32>,
    %get3A_464 = vector.shape_cast %get3A_463 : vector<16xf32> to vector<16xf32>
    %add3A_465 = arith.addf %get3A_461, %get3A_464 : vector<16xf32>
    %swap3A_466 = arith.constant 1 : i32
    %swap3A_467 = arith.index_cast %swap3A_466 : i32 to index
    %swap3A_468 = arith.constant 0 : index
    %swap3A_469 = tpu.vector_load %arg7[%swap3A_467, %swap3A_468] {strides = array<i32>} : memref<4x12800xf32, #tpu.memory_space<vmem>>, vector<1x16xf32>,
    %swap3A_470 = vector.shape_cast %swap3A_469 : vector<1x16xf32> to vector<16xf32>
    %swap3A_471 = vector.shape_cast %add3A_465 : vector<16xf32> to vector<1x16xf32>
    tpu.vector_store %arg7[%swap3A_467, %swap3A_468], %swap3A_471 {strides = array<i32>} : memref<4x12800xf32, #tpu.memory_space<vmem>>, vector<1x16xf32>,
    %add3A_472 = arith.constant 125 : i32
    %add3A_473 = arith.addi %mul3A_2, %add3A_472 : i32
    %dma_start3A_474 = arith.constant 1 : i32
    %dma_start3A_475 = arith.constant 1 : i32
    %dma_start3A_476 = arith.constant 0 : i32
    %dma_start3A_477 = tpu.memref_slice %arg7[%dma_start3A_474, %dma_start3A_476] : memref<4x12800xf32, #tpu.memory_space<vmem>> -> memref<1x12800xf32, #tpu.memory_space<vmem>>
    %dma_start3A_478 = tpu.memref_squeeze %dma_start3A_477 : memref<1x12800xf32, #tpu.memory_space<vmem>> -> memref<12800xf32, #tpu.memory_space<vmem>>
    %dma_start3A_479 = arith.constant 0 : i32
    %dma_start3A_480 = tpu.memref_slice %arg4[%add3A_473, %dma_start3A_479] : memref<4096x12800xf32, #tpu.memory_space<hbm>> -> memref<1x12800xf32, #tpu.memory_space<hbm>>
    %dma_start3A_481 = tpu.memref_squeeze %dma_start3A_480 : memref<1x12800xf32, #tpu.memory_space<hbm>> -> memref<12800xf32, #tpu.memory_space<hbm>>
    %dma_start3A_482 = tpu.memref_slice %arg9[%dma_start3A_475] : memref<4x!tpu.dma_semaphore, #tpu.memory_space<semaphore_mem>> -> memref<1x!tpu.dma_semaphore, #tpu.memory_space<semaphore_mem>>
    %dma_start3A_483 = tpu.memref_squeeze %dma_start3A_482 : memref<1x!tpu.dma_semaphore, #tpu.memory_space<semaphore_mem>> -> memref<!tpu.dma_semaphore, #tpu.memory_space<semaphore_mem>>
    %dma_start3A_484 = arith.constant 0 : i32
    %dma_start3A_485 = tpu.memref_slice %arg4[%add3A_473, %dma_start3A_484] : memref<4096x12800xf32, #tpu.memory_space<hbm>> -> memref<1x12800xf32, #tpu.memory_space<hbm>>
    %dma_start3A_486 = tpu.memref_squeeze %dma_start3A_485 : memref<1x12800xf32, #tpu.memory_space<hbm>> -> memref<12800xf32, #tpu.memory_space<hbm>>
    %dma_start3A_487 = arith.constant 0 : i32
    %dma_start3A_488 = tpu.memref_slice %arg7[%dma_start3A_474, %dma_start3A_487] : memref<4x12800xf32, #tpu.memory_space<vmem>> -> memref<1x12800xf32, #tpu.memory_space<vmem>>
    %dma_start3A_489 = tpu.memref_squeeze %dma_start3A_488 : memref<1x12800xf32, #tpu.memory_space<vmem>> -> memref<12800xf32, #tpu.memory_space<vmem>>
    tpu.enqueue_dma source(%dma_start3A_489 : memref<12800xf32, #tpu.memory_space<vmem>>) target(%dma_start3A_486 : memref<12800xf32, #tpu.memory_space<hbm>>) target_semaphore(%dma_start3A_483 : memref<!tpu.dma_semaphore, #tpu.memory_space<semaphore_mem>>)
    %add3A_490 = arith.constant 126 : i32
    %add3A_491 = arith.addi %mul3A_2, %add3A_490 : i32
    %dma_wait3A_492 = arith.constant 2 : i32
    %dma_wait3A_493 = arith.constant 2 : i32
    %dma_wait3A_494 = arith.constant 0 : i32
    %dma_wait3A_495 = tpu.memref_slice %arg6[%dma_wait3A_492, %dma_wait3A_494] : memref<4x12800xf32, #tpu.memory_space<vmem>> -> memref<1x12800xf32, #tpu.memory_space<vmem>>
    %dma_wait3A_496 = tpu.memref_squeeze %dma_wait3A_495 : memref<1x12800xf32, #tpu.memory_space<vmem>> -> memref<12800xf32, #tpu.memory_space<vmem>>
    %dma_wait3A_497 = arith.constant 0 : i32
    %dma_wait3A_498 = tpu.memref_slice %arg2[%add3A_491, %dma_wait3A_497] : memref<4096x12800xf32, #tpu.memory_space<hbm>> -> memref<1x12800xf32, #tpu.memory_space<hbm>>
    %dma_wait3A_499 = tpu.memref_squeeze %dma_wait3A_498 : memref<1x12800xf32, #tpu.memory_space<hbm>> -> memref<12800xf32, #tpu.memory_space<hbm>>
    %dma_wait3A_500 = tpu.memref_slice %arg8[%dma_wait3A_493] : memref<4x!tpu.dma_semaphore, #tpu.memory_space<semaphore_mem>> -> memref<1x!tpu.dma_semaphore, #tpu.memory_space<semaphore_mem>>
    %dma_wait3A_501 = tpu.memref_squeeze %dma_wait3A_500 : memref<1x!tpu.dma_semaphore, #tpu.memory_space<semaphore_mem>> -> memref<!tpu.dma_semaphore, #tpu.memory_space<semaphore_mem>>
    %dma_wait3A_502 = arith.constant 0 : i32
    %dma_wait3A_503 = tpu.memref_slice %arg6[%dma_wait3A_492, %dma_wait3A_502] : memref<4x12800xf32, #tpu.memory_space<vmem>> -> memref<1x12800xf32, #tpu.memory_space<vmem>>
    %dma_wait3A_504 = tpu.memref_squeeze %dma_wait3A_503 : memref<1x12800xf32, #tpu.memory_space<vmem>> -> memref<12800xf32, #tpu.memory_space<vmem>>
    %dma_wait3A_505 = arith.constant 0 : i32
    %dma_wait3A_506 = tpu.memref_slice %arg2[%add3A_491, %dma_wait3A_505] : memref<4096x12800xf32, #tpu.memory_space<hbm>> -> memref<1x12800xf32, #tpu.memory_space<hbm>>
    %dma_wait3A_507 = tpu.memref_squeeze %dma_wait3A_506 : memref<1x12800xf32, #tpu.memory_space<hbm>> -> memref<12800xf32, #tpu.memory_space<hbm>>
    tpu.wait_dma2 semaphore(%dma_wait3A_501 : memref<!tpu.dma_semaphore, #tpu.memory_space<semaphore_mem>>) src(%dma_wait3A_507 : memref<12800xf32, #tpu.memory_space<hbm>>) dst(%dma_wait3A_504 : memref<12800xf32, #tpu.memory_space<vmem>>)
    %add3A_508 = arith.constant 122 : i32
    %add3A_509 = arith.addi %mul3A_2, %add3A_508 : i32
    %dma_wait3A_510 = arith.constant 2 : i32
    %dma_wait3A_511 = arith.constant 2 : i32
    %dma_wait3A_512 = arith.constant 0 : i32
    %dma_wait3A_513 = tpu.memref_slice %arg7[%dma_wait3A_510, %dma_wait3A_512] : memref<4x12800xf32, #tpu.memory_space<vmem>> -> memref<1x12800xf32, #tpu.memory_space<vmem>>
    %dma_wait3A_514 = tpu.memref_squeeze %dma_wait3A_513 : memref<1x12800xf32, #tpu.memory_space<vmem>> -> memref<12800xf32, #tpu.memory_space<vmem>>
    %dma_wait3A_515 = arith.constant 0 : i32
    %dma_wait3A_516 = tpu.memref_slice %arg4[%add3A_509, %dma_wait3A_515] : memref<4096x12800xf32, #tpu.memory_space<hbm>> -> memref<1x12800xf32, #tpu.memory_space<hbm>>
    %dma_wait3A_517 = tpu.memref_squeeze %dma_wait3A_516 : memref<1x12800xf32, #tpu.memory_space<hbm>> -> memref<12800xf32, #tpu.memory_space<hbm>>
    %dma_wait3A_518 = tpu.memref_slice %arg9[%dma_wait3A_511] : memref<4x!tpu.dma_semaphore, #tpu.memory_space<semaphore_mem>> -> memref<1x!tpu.dma_semaphore, #tpu.memory_space<semaphore_mem>>
    %dma_wait3A_519 = tpu.memref_squeeze %dma_wait3A_518 : memref<1x!tpu.dma_semaphore, #tpu.memory_space<semaphore_mem>> -> memref<!tpu.dma_semaphore, #tpu.memory_space<semaphore_mem>>
    %dma_wait3A_520 = arith.constant 0 : i32
    %dma_wait3A_521 = tpu.memref_slice %arg4[%add3A_509, %dma_wait3A_520] : memref<4096x12800xf32, #tpu.memory_space<hbm>> -> memref<1x12800xf32, #tpu.memory_space<hbm>>
    %dma_wait3A_522 = tpu.memref_squeeze %dma_wait3A_521 : memref<1x12800xf32, #tpu.memory_space<hbm>> -> memref<12800xf32, #tpu.memory_space<hbm>>
    %dma_wait3A_523 = arith.constant 0 : i32
    %dma_wait3A_524 = tpu.memref_slice %arg7[%dma_wait3A_510, %dma_wait3A_523] : memref<4x12800xf32, #tpu.memory_space<vmem>> -> memref<1x12800xf32, #tpu.memory_space<vmem>>
    %dma_wait3A_525 = tpu.memref_squeeze %dma_wait3A_524 : memref<1x12800xf32, #tpu.memory_space<vmem>> -> memref<12800xf32, #tpu.memory_space<vmem>>
    tpu.wait_dma2 semaphore(%dma_wait3A_519 : memref<!tpu.dma_semaphore, #tpu.memory_space<semaphore_mem>>) src(%dma_wait3A_525 : memref<12800xf32, #tpu.memory_space<vmem>>) dst(%dma_wait3A_522 : memref<12800xf32, #tpu.memory_space<hbm>>)
    %get3A_526 = arith.constant 2 : i32
    %get3A_527 = arith.index_cast %get3A_526 : i32 to index
    %get3A_528 = arith.constant 0 : index
    %get3A_529 = tpu.vector_load %arg6[%get3A_527, %get3A_528] {strides = array<i32>} : memref<4x12800xf32, #tpu.memory_space<vmem>>, vector<1x16xf32>,
    %get3A_530 = vector.shape_cast %get3A_529 : vector<1x16xf32> to vector<16xf32>
    %get3A_531 = arith.constant 0 : index
    %get3A_532 = tpu.vector_load %arg5[%get3A_531] {strides = array<i32>} : memref<12800xf32, #tpu.memory_space<vmem>>, vector<16xf32>,
    %get3A_533 = vector.shape_cast %get3A_532 : vector<16xf32> to vector<16xf32>
    %add3A_534 = arith.addf %get3A_530, %get3A_533 : vector<16xf32>
    %swap3A_535 = arith.constant 2 : i32
    %swap3A_536 = arith.index_cast %swap3A_535 : i32 to index
    %swap3A_537 = arith.constant 0 : index
    %swap3A_538 = tpu.vector_load %arg7[%swap3A_536, %swap3A_537] {strides = array<i32>} : memref<4x12800xf32, #tpu.memory_space<vmem>>, vector<1x16xf32>,
    %swap3A_539 = vector.shape_cast %swap3A_538 : vector<1x16xf32> to vector<16xf32>
    %swap3A_540 = vector.shape_cast %add3A_534 : vector<16xf32> to vector<1x16xf32>
    tpu.vector_store %arg7[%swap3A_536, %swap3A_537], %swap3A_540 {strides = array<i32>} : memref<4x12800xf32, #tpu.memory_space<vmem>>, vector<1x16xf32>,
    %add3A_541 = arith.constant 126 : i32
    %add3A_542 = arith.addi %mul3A_2, %add3A_541 : i32
    %dma_start3A_543 = arith.constant 2 : i32
    %dma_start3A_544 = arith.constant 2 : i32
    %dma_start3A_545 = arith.constant 0 : i32
    %dma_start3A_546 = tpu.memref_slice %arg7[%dma_start3A_543, %dma_start3A_545] : memref<4x12800xf32, #tpu.memory_space<vmem>> -> memref<1x12800xf32, #tpu.memory_space<vmem>>
    %dma_start3A_547 = tpu.memref_squeeze %dma_start3A_546 : memref<1x12800xf32, #tpu.memory_space<vmem>> -> memref<12800xf32, #tpu.memory_space<vmem>>
    %dma_start3A_548 = arith.constant 0 : i32
    %dma_start3A_549 = tpu.memref_slice %arg4[%add3A_542, %dma_start3A_548] : memref<4096x12800xf32, #tpu.memory_space<hbm>> -> memref<1x12800xf32, #tpu.memory_space<hbm>>
    %dma_start3A_550 = tpu.memref_squeeze %dma_start3A_549 : memref<1x12800xf32, #tpu.memory_space<hbm>> -> memref<12800xf32, #tpu.memory_space<hbm>>
    %dma_start3A_551 = tpu.memref_slice %arg9[%dma_start3A_544] : memref<4x!tpu.dma_semaphore, #tpu.memory_space<semaphore_mem>> -> memref<1x!tpu.dma_semaphore, #tpu.memory_space<semaphore_mem>>
    %dma_start3A_552 = tpu.memref_squeeze %dma_start3A_551 : memref<1x!tpu.dma_semaphore, #tpu.memory_space<semaphore_mem>> -> memref<!tpu.dma_semaphore, #tpu.memory_space<semaphore_mem>>
    %dma_start3A_553 = arith.constant 0 : i32
    %dma_start3A_554 = tpu.memref_slice %arg4[%add3A_542, %dma_start3A_553] : memref<4096x12800xf32, #tpu.memory_space<hbm>> -> memref<1x12800xf32, #tpu.memory_space<hbm>>
    %dma_start3A_555 = tpu.memref_squeeze %dma_start3A_554 : memref<1x12800xf32, #tpu.memory_space<hbm>> -> memref<12800xf32, #tpu.memory_space<hbm>>
    %dma_start3A_556 = arith.constant 0 : i32
    %dma_start3A_557 = tpu.memref_slice %arg7[%dma_start3A_543, %dma_start3A_556] : memref<4x12800xf32, #tpu.memory_space<vmem>> -> memref<1x12800xf32, #tpu.memory_space<vmem>>
    %dma_start3A_558 = tpu.memref_squeeze %dma_start3A_557 : memref<1x12800xf32, #tpu.memory_space<vmem>> -> memref<12800xf32, #tpu.memory_space<vmem>>
    tpu.enqueue_dma source(%dma_start3A_558 : memref<12800xf32, #tpu.memory_space<vmem>>) target(%dma_start3A_555 : memref<12800xf32, #tpu.memory_space<hbm>>) target_semaphore(%dma_start3A_552 : memref<!tpu.dma_semaphore, #tpu.memory_space<semaphore_mem>>)
    %add3A_559 = arith.constant 127 : i32
    %add3A_560 = arith.addi %mul3A_2, %add3A_559 : i32
    %dma_wait3A_561 = arith.constant 3 : i32
    %dma_wait3A_562 = arith.constant 3 : i32
    %dma_wait3A_563 = arith.constant 0 : i32
    %dma_wait3A_564 = tpu.memref_slice %arg6[%dma_wait3A_561, %dma_wait3A_563] : memref<4x12800xf32, #tpu.memory_space<vmem>> -> memref<1x12800xf32, #tpu.memory_space<vmem>>
    %dma_wait3A_565 = tpu.memref_squeeze %dma_wait3A_564 : memref<1x12800xf32, #tpu.memory_space<vmem>> -> memref<12800xf32, #tpu.memory_space<vmem>>
    %dma_wait3A_566 = arith.constant 0 : i32
    %dma_wait3A_567 = tpu.memref_slice %arg2[%add3A_560, %dma_wait3A_566] : memref<4096x12800xf32, #tpu.memory_space<hbm>> -> memref<1x12800xf32, #tpu.memory_space<hbm>>
    %dma_wait3A_568 = tpu.memref_squeeze %dma_wait3A_567 : memref<1x12800xf32, #tpu.memory_space<hbm>> -> memref<12800xf32, #tpu.memory_space<hbm>>
    %dma_wait3A_569 = tpu.memref_slice %arg8[%dma_wait3A_562] : memref<4x!tpu.dma_semaphore, #tpu.memory_space<semaphore_mem>> -> memref<1x!tpu.dma_semaphore, #tpu.memory_space<semaphore_mem>>
    %dma_wait3A_570 = tpu.memref_squeeze %dma_wait3A_569 : memref<1x!tpu.dma_semaphore, #tpu.memory_space<semaphore_mem>> -> memref<!tpu.dma_semaphore, #tpu.memory_space<semaphore_mem>>
    %dma_wait3A_571 = arith.constant 0 : i32
    %dma_wait3A_572 = tpu.memref_slice %arg6[%dma_wait3A_561, %dma_wait3A_571] : memref<4x12800xf32, #tpu.memory_space<vmem>> -> memref<1x12800xf32, #tpu.memory_space<vmem>>
    %dma_wait3A_573 = tpu.memref_squeeze %dma_wait3A_572 : memref<1x12800xf32, #tpu.memory_space<vmem>> -> memref<12800xf32, #tpu.memory_space<vmem>>
    %dma_wait3A_574 = arith.constant 0 : i32
    %dma_wait3A_575 = tpu.memref_slice %arg2[%add3A_560, %dma_wait3A_574] : memref<4096x12800xf32, #tpu.memory_space<hbm>> -> memref<1x12800xf32, #tpu.memory_space<hbm>>
    %dma_wait3A_576 = tpu.memref_squeeze %dma_wait3A_575 : memref<1x12800xf32, #tpu.memory_space<hbm>> -> memref<12800xf32, #tpu.memory_space<hbm>>
    tpu.wait_dma2 semaphore(%dma_wait3A_570 : memref<!tpu.dma_semaphore, #tpu.memory_space<semaphore_mem>>) src(%dma_wait3A_576 : memref<12800xf32, #tpu.memory_space<hbm>>) dst(%dma_wait3A_573 : memref<12800xf32, #tpu.memory_space<vmem>>)
    %add3A_577 = arith.constant 123 : i32
    %add3A_578 = arith.addi %mul3A_2, %add3A_577 : i32
    %dma_wait3A_579 = arith.constant 3 : i32
    %dma_wait3A_580 = arith.constant 3 : i32
    %dma_wait3A_581 = arith.constant 0 : i32
    %dma_wait3A_582 = tpu.memref_slice %arg7[%dma_wait3A_579, %dma_wait3A_581] : memref<4x12800xf32, #tpu.memory_space<vmem>> -> memref<1x12800xf32, #tpu.memory_space<vmem>>
    %dma_wait3A_583 = tpu.memref_squeeze %dma_wait3A_582 : memref<1x12800xf32, #tpu.memory_space<vmem>> -> memref<12800xf32, #tpu.memory_space<vmem>>
    %dma_wait3A_584 = arith.constant 0 : i32
    %dma_wait3A_585 = tpu.memref_slice %arg4[%add3A_578, %dma_wait3A_584] : memref<4096x12800xf32, #tpu.memory_space<hbm>> -> memref<1x12800xf32, #tpu.memory_space<hbm>>
    %dma_wait3A_586 = tpu.memref_squeeze %dma_wait3A_585 : memref<1x12800xf32, #tpu.memory_space<hbm>> -> memref<12800xf32, #tpu.memory_space<hbm>>
    %dma_wait3A_587 = tpu.memref_slice %arg9[%dma_wait3A_580] : memref<4x!tpu.dma_semaphore, #tpu.memory_space<semaphore_mem>> -> memref<1x!tpu.dma_semaphore, #tpu.memory_space<semaphore_mem>>
    %dma_wait3A_588 = tpu.memref_squeeze %dma_wait3A_587 : memref<1x!tpu.dma_semaphore, #tpu.memory_space<semaphore_mem>> -> memref<!tpu.dma_semaphore, #tpu.memory_space<semaphore_mem>>
    %dma_wait3A_589 = arith.constant 0 : i32
    %dma_wait3A_590 = tpu.memref_slice %arg4[%add3A_578, %dma_wait3A_589] : memref<4096x12800xf32, #tpu.memory_space<hbm>> -> memref<1x12800xf32, #tpu.memory_space<hbm>>
    %dma_wait3A_591 = tpu.memref_squeeze %dma_wait3A_590 : memref<1x12800xf32, #tpu.memory_space<hbm>> -> memref<12800xf32, #tpu.memory_space<hbm>>
    %dma_wait3A_592 = arith.constant 0 : i32
    %dma_wait3A_593 = tpu.memref_slice %arg7[%dma_wait3A_579, %dma_wait3A_592] : memref<4x12800xf32, #tpu.memory_space<vmem>> -> memref<1x12800xf32, #tpu.memory_space<vmem>>
    %dma_wait3A_594 = tpu.memref_squeeze %dma_wait3A_593 : memref<1x12800xf32, #tpu.memory_space<vmem>> -> memref<12800xf32, #tpu.memory_space<vmem>>
    tpu.wait_dma2 semaphore(%dma_wait3A_588 : memref<!tpu.dma_semaphore, #tpu.memory_space<semaphore_mem>>) src(%dma_wait3A_594 : memref<12800xf32, #tpu.memory_space<vmem>>) dst(%dma_wait3A_591 : memref<12800xf32, #tpu.memory_space<hbm>>)
    %get3A_595 = arith.constant 3 : i32
    %get3A_596 = arith.index_cast %get3A_595 : i32 to index
    %get3A_597 = arith.constant 0 : index
    %get3A_598 = tpu.vector_load %arg6[%get3A_596, %get3A_597] {strides = array<i32>} : memref<4x12800xf32, #tpu.memory_space<vmem>>, vector<1x16xf32>,
    %get3A_599 = vector.shape_cast %get3A_598 : vector<1x16xf32> to vector<16xf32>
    %get3A_600 = arith.constant 0 : index
    %get3A_601 = tpu.vector_load %arg5[%get3A_600] {strides = array<i32>} : memref<12800xf32, #tpu.memory_space<vmem>>, vector<16xf32>,
    %get3A_602 = vector.shape_cast %get3A_601 : vector<16xf32> to vector<16xf32>
    %add3A_603 = arith.addf %get3A_599, %get3A_602 : vector<16xf32>
    %swap3A_604 = arith.constant 3 : i32
    %swap3A_605 = arith.index_cast %swap3A_604 : i32 to index
    %swap3A_606 = arith.constant 0 : index
    %swap3A_607 = tpu.vector_load %arg7[%swap3A_605, %swap3A_606] {strides = array<i32>} : memref<4x12800xf32, #tpu.memory_space<vmem>>, vector<1x16xf32>,
    %swap3A_608 = vector.shape_cast %swap3A_607 : vector<1x16xf32> to vector<16xf32>
    %swap3A_609 = vector.shape_cast %add3A_603 : vector<16xf32> to vector<1x16xf32>
    tpu.vector_store %arg7[%swap3A_605, %swap3A_606], %swap3A_609 {strides = array<i32>} : memref<4x12800xf32, #tpu.memory_space<vmem>>, vector<1x16xf32>,
    %add3A_610 = arith.constant 127 : i32
    %add3A_611 = arith.addi %mul3A_2, %add3A_610 : i32
    %dma_start3A_612 = arith.constant 3 : i32
    %dma_start3A_613 = arith.constant 3 : i32
    %dma_start3A_614 = arith.constant 0 : i32
    %dma_start3A_615 = tpu.memref_slice %arg7[%dma_start3A_612, %dma_start3A_614] : memref<4x12800xf32, #tpu.memory_space<vmem>> -> memref<1x12800xf32, #tpu.memory_space<vmem>>
    %dma_start3A_616 = tpu.memref_squeeze %dma_start3A_615 : memref<1x12800xf32, #tpu.memory_space<vmem>> -> memref<12800xf32, #tpu.memory_space<vmem>>
    %dma_start3A_617 = arith.constant 0 : i32
    %dma_start3A_618 = tpu.memref_slice %arg4[%add3A_611, %dma_start3A_617] : memref<4096x12800xf32, #tpu.memory_space<hbm>> -> memref<1x12800xf32, #tpu.memory_space<hbm>>
    %dma_start3A_619 = tpu.memref_squeeze %dma_start3A_618 : memref<1x12800xf32, #tpu.memory_space<hbm>> -> memref<12800xf32, #tpu.memory_space<hbm>>
    %dma_start3A_620 = tpu.memref_slice %arg9[%dma_start3A_613] : memref<4x!tpu.dma_semaphore, #tpu.memory_space<semaphore_mem>> -> memref<1x!tpu.dma_semaphore, #tpu.memory_space<semaphore_mem>>
    %dma_start3A_621 = tpu.memref_squeeze %dma_start3A_620 : memref<1x!tpu.dma_semaphore, #tpu.memory_space<semaphore_mem>> -> memref<!tpu.dma_semaphore, #tpu.memory_space<semaphore_mem>>
    %dma_start3A_622 = arith.constant 0 : i32
    %dma_start3A_623 = tpu.memref_slice %arg4[%add3A_611, %dma_start3A_622] : memref<4096x12800xf32, #tpu.memory_space<hbm>> -> memref<1x12800xf32, #tpu.memory_space<hbm>>
    %dma_start3A_624 = tpu.memref_squeeze %dma_start3A_623 : memref<1x12800xf32, #tpu.memory_space<hbm>> -> memref<12800xf32, #tpu.memory_space<hbm>>
    %dma_start3A_625 = arith.constant 0 : i32
    %dma_start3A_626 = tpu.memref_slice %arg7[%dma_start3A_612, %dma_start3A_625] : memref<4x12800xf32, #tpu.memory_space<vmem>> -> memref<1x12800xf32, #tpu.memory_space<vmem>>
    %dma_start3A_627 = tpu.memref_squeeze %dma_start3A_626 : memref<1x12800xf32, #tpu.memory_space<vmem>> -> memref<12800xf32, #tpu.memory_space<vmem>>
    tpu.enqueue_dma source(%dma_start3A_627 : memref<12800xf32, #tpu.memory_space<vmem>>) target(%dma_start3A_624 : memref<12800xf32, #tpu.memory_space<hbm>>) target_semaphore(%dma_start3A_621 : memref<!tpu.dma_semaphore, #tpu.memory_space<semaphore_mem>>)
    %add3A_628 = arith.constant 124 : i32
    %add3A_629 = arith.addi %mul3A_2, %add3A_628 : i32
    %dma_wait3A_630 = arith.constant 0 : i32
    %dma_wait3A_631 = arith.constant 0 : i32
    %dma_wait3A_632 = arith.constant 0 : i32
    %dma_wait3A_633 = tpu.memref_slice %arg7[%dma_wait3A_630, %dma_wait3A_632] : memref<4x12800xf32, #tpu.memory_space<vmem>> -> memref<1x12800xf32, #tpu.memory_space<vmem>>
    %dma_wait3A_634 = tpu.memref_squeeze %dma_wait3A_633 : memref<1x12800xf32, #tpu.memory_space<vmem>> -> memref<12800xf32, #tpu.memory_space<vmem>>
    %dma_wait3A_635 = arith.constant 0 : i32
    %dma_wait3A_636 = tpu.memref_slice %arg4[%add3A_629, %dma_wait3A_635] : memref<4096x12800xf32, #tpu.memory_space<hbm>> -> memref<1x12800xf32, #tpu.memory_space<hbm>>
    %dma_wait3A_637 = tpu.memref_squeeze %dma_wait3A_636 : memref<1x12800xf32, #tpu.memory_space<hbm>> -> memref<12800xf32, #tpu.memory_space<hbm>>
    %dma_wait3A_638 = tpu.memref_slice %arg9[%dma_wait3A_631] : memref<4x!tpu.dma_semaphore, #tpu.memory_space<semaphore_mem>> -> memref<1x!tpu.dma_semaphore, #tpu.memory_space<semaphore_mem>>
    %dma_wait3A_639 = tpu.memref_squeeze %dma_wait3A_638 : memref<1x!tpu.dma_semaphore, #tpu.memory_space<semaphore_mem>> -> memref<!tpu.dma_semaphore, #tpu.memory_space<semaphore_mem>>
    %dma_wait3A_640 = arith.constant 0 : i32
    %dma_wait3A_641 = tpu.memref_slice %arg4[%add3A_629, %dma_wait3A_640] : memref<4096x12800xf32, #tpu.memory_space<hbm>> -> memref<1x12800xf32, #tpu.memory_space<hbm>>
    %dma_wait3A_642 = tpu.memref_squeeze %dma_wait3A_641 : memref<1x12800xf32, #tpu.memory_space<hbm>> -> memref<12800xf32, #tpu.memory_space<hbm>>
    %dma_wait3A_643 = arith.constant 0 : i32
    %dma_wait3A_644 = tpu.memref_slice %arg7[%dma_wait3A_630, %dma_wait3A_643] : memref<4x12800xf32, #tpu.memory_space<vmem>> -> memref<1x12800xf32, #tpu.memory_space<vmem>>
    %dma_wait3A_645 = tpu.memref_squeeze %dma_wait3A_644 : memref<1x12800xf32, #tpu.memory_space<vmem>> -> memref<12800xf32, #tpu.memory_space<vmem>>
    tpu.wait_dma2 semaphore(%dma_wait3A_639 : memref<!tpu.dma_semaphore, #tpu.memory_space<semaphore_mem>>) src(%dma_wait3A_645 : memref<12800xf32, #tpu.memory_space<vmem>>) dst(%dma_wait3A_642 : memref<12800xf32, #tpu.memory_space<hbm>>)
    %add3A_646 = arith.constant 125 : i32
    %add3A_647 = arith.addi %mul3A_2, %add3A_646 : i32
    %dma_wait3A_648 = arith.constant 1 : i32
    %dma_wait3A_649 = arith.constant 1 : i32
    %dma_wait3A_650 = arith.constant 0 : i32
    %dma_wait3A_651 = tpu.memref_slice %arg7[%dma_wait3A_648, %dma_wait3A_650] : memref<4x12800xf32, #tpu.memory_space<vmem>> -> memref<1x12800xf32, #tpu.memory_space<vmem>>
    %dma_wait3A_652 = tpu.memref_squeeze %dma_wait3A_651 : memref<1x12800xf32, #tpu.memory_space<vmem>> -> memref<12800xf32, #tpu.memory_space<vmem>>
    %dma_wait3A_653 = arith.constant 0 : i32
    %dma_wait3A_654 = tpu.memref_slice %arg4[%add3A_647, %dma_wait3A_653] : memref<4096x12800xf32, #tpu.memory_space<hbm>> -> memref<1x12800xf32, #tpu.memory_space<hbm>>
    %dma_wait3A_655 = tpu.memref_squeeze %dma_wait3A_654 : memref<1x12800xf32, #tpu.memory_space<hbm>> -> memref<12800xf32, #tpu.memory_space<hbm>>
    %dma_wait3A_656 = tpu.memref_slice %arg9[%dma_wait3A_649] : memref<4x!tpu.dma_semaphore, #tpu.memory_space<semaphore_mem>> -> memref<1x!tpu.dma_semaphore, #tpu.memory_space<semaphore_mem>>
    %dma_wait3A_657 = tpu.memref_squeeze %dma_wait3A_656 : memref<1x!tpu.dma_semaphore, #tpu.memory_space<semaphore_mem>> -> memref<!tpu.dma_semaphore, #tpu.memory_space<semaphore_mem>>
    %dma_wait3A_658 = arith.constant 0 : i32
    %dma_wait3A_659 = tpu.memref_slice %arg4[%add3A_647, %dma_wait3A_658] : memref<4096x12800xf32, #tpu.memory_space<hbm>> -> memref<1x12800xf32, #tpu.memory_space<hbm>>
    %dma_wait3A_660 = tpu.memref_squeeze %dma_wait3A_659 : memref<1x12800xf32, #tpu.memory_space<hbm>> -> memref<12800xf32, #tpu.memory_space<hbm>>
    %dma_wait3A_661 = arith.constant 0 : i32
    %dma_wait3A_662 = tpu.memref_slice %arg7[%dma_wait3A_648, %dma_wait3A_661] : memref<4x12800xf32, #tpu.memory_space<vmem>> -> memref<1x12800xf32, #tpu.memory_space<vmem>>
    %dma_wait3A_663 = tpu.memref_squeeze %dma_wait3A_662 : memref<1x12800xf32, #tpu.memory_space<vmem>> -> memref<12800xf32, #tpu.memory_space<vmem>>
    tpu.wait_dma2 semaphore(%dma_wait3A_657 : memref<!tpu.dma_semaphore, #tpu.memory_space<semaphore_mem>>) src(%dma_wait3A_663 : memref<12800xf32, #tpu.memory_space<vmem>>) dst(%dma_wait3A_660 : memref<12800xf32, #tpu.memory_space<hbm>>)
    %add3A_664 = arith.constant 126 : i32
    %add3A_665 = arith.addi %mul3A_2, %add3A_664 : i32
    %dma_wait3A_666 = arith.constant 2 : i32
    %dma_wait3A_667 = arith.constant 2 : i32
    %dma_wait3A_668 = arith.constant 0 : i32
    %dma_wait3A_669 = tpu.memref_slice %arg7[%dma_wait3A_666, %dma_wait3A_668] : memref<4x12800xf32, #tpu.memory_space<vmem>> -> memref<1x12800xf32, #tpu.memory_space<vmem>>
    %dma_wait3A_670 = tpu.memref_squeeze %dma_wait3A_669 : memref<1x12800xf32, #tpu.memory_space<vmem>> -> memref<12800xf32, #tpu.memory_space<vmem>>
    %dma_wait3A_671 = arith.constant 0 : i32
    %dma_wait3A_672 = tpu.memref_slice %arg4[%add3A_665, %dma_wait3A_671] : memref<4096x12800xf32, #tpu.memory_space<hbm>> -> memref<1x12800xf32, #tpu.memory_space<hbm>>
    %dma_wait3A_673 = tpu.memref_squeeze %dma_wait3A_672 : memref<1x12800xf32, #tpu.memory_space<hbm>> -> memref<12800xf32, #tpu.memory_space<hbm>>
    %dma_wait3A_674 = tpu.memref_slice %arg9[%dma_wait3A_667] : memref<4x!tpu.dma_semaphore, #tpu.memory_space<semaphore_mem>> -> memref<1x!tpu.dma_semaphore, #tpu.memory_space<semaphore_mem>>
    %dma_wait3A_675 = tpu.memref_squeeze %dma_wait3A_674 : memref<1x!tpu.dma_semaphore, #tpu.memory_space<semaphore_mem>> -> memref<!tpu.dma_semaphore, #tpu.memory_space<semaphore_mem>>
    %dma_wait3A_676 = arith.constant 0 : i32
    %dma_wait3A_677 = tpu.memref_slice %arg4[%add3A_665, %dma_wait3A_676] : memref<4096x12800xf32, #tpu.memory_space<hbm>> -> memref<1x12800xf32, #tpu.memory_space<hbm>>
    %dma_wait3A_678 = tpu.memref_squeeze %dma_wait3A_677 : memref<1x12800xf32, #tpu.memory_space<hbm>> -> memref<12800xf32, #tpu.memory_space<hbm>>
    %dma_wait3A_679 = arith.constant 0 : i32
    %dma_wait3A_680 = tpu.memref_slice %arg7[%dma_wait3A_666, %dma_wait3A_679] : memref<4x12800xf32, #tpu.memory_space<vmem>> -> memref<1x12800xf32, #tpu.memory_space<vmem>>
    %dma_wait3A_681 = tpu.memref_squeeze %dma_wait3A_680 : memref<1x12800xf32, #tpu.memory_space<vmem>> -> memref<12800xf32, #tpu.memory_space<vmem>>
    tpu.wait_dma2 semaphore(%dma_wait3A_675 : memref<!tpu.dma_semaphore, #tpu.memory_space<semaphore_mem>>) src(%dma_wait3A_681 : memref<12800xf32, #tpu.memory_space<vmem>>) dst(%dma_wait3A_678 : memref<12800xf32, #tpu.memory_space<hbm>>)
    %add3A_682 = arith.constant 127 : i32
    %add3A_683 = arith.addi %mul3A_2, %add3A_682 : i32
    %dma_wait3A_684 = arith.constant 3 : i32
    %dma_wait3A_685 = arith.constant 3 : i32
    %dma_wait3A_686 = arith.constant 0 : i32
    %dma_wait3A_687 = tpu.memref_slice %arg7[%dma_wait3A_684, %dma_wait3A_686] : memref<4x12800xf32, #tpu.memory_space<vmem>> -> memref<1x12800xf32, #tpu.memory_space<vmem>>
    %dma_wait3A_688 = tpu.memref_squeeze %dma_wait3A_687 : memref<1x12800xf32, #tpu.memory_space<vmem>> -> memref<12800xf32, #tpu.memory_space<vmem>>
    %dma_wait3A_689 = arith.constant 0 : i32
    %dma_wait3A_690 = tpu.memref_slice %arg4[%add3A_683, %dma_wait3A_689] : memref<4096x12800xf32, #tpu.memory_space<hbm>> -> memref<1x12800xf32, #tpu.memory_space<hbm>>
    %dma_wait3A_691 = tpu.memref_squeeze %dma_wait3A_690 : memref<1x12800xf32, #tpu.memory_space<hbm>> -> memref<12800xf32, #tpu.memory_space<hbm>>
    %dma_wait3A_692 = tpu.memref_slice %arg9[%dma_wait3A_685] : memref<4x!tpu.dma_semaphore, #tpu.memory_space<semaphore_mem>> -> memref<1x!tpu.dma_semaphore, #tpu.memory_space<semaphore_mem>>
    %dma_wait3A_693 = tpu.memref_squeeze %dma_wait3A_692 : memref<1x!tpu.dma_semaphore, #tpu.memory_space<semaphore_mem>> -> memref<!tpu.dma_semaphore, #tpu.memory_space<semaphore_mem>>
    %dma_wait3A_694 = arith.constant 0 : i32
    %dma_wait3A_695 = tpu.memref_slice %arg4[%add3A_683, %dma_wait3A_694] : memref<4096x12800xf32, #tpu.memory_space<hbm>> -> memref<1x12800xf32, #tpu.memory_space<hbm>>
    %dma_wait3A_696 = tpu.memref_squeeze %dma_wait3A_695 : memref<1x12800xf32, #tpu.memory_space<hbm>> -> memref<12800xf32, #tpu.memory_space<hbm>>
    %dma_wait3A_697 = arith.constant 0 : i32
    %dma_wait3A_698 = tpu.memref_slice %arg7[%dma_wait3A_684, %dma_wait3A_697] : memref<4x12800xf32, #tpu.memory_space<vmem>> -> memref<1x12800xf32, #tpu.memory_space<vmem>>
    %dma_wait3A_699 = tpu.memref_squeeze %dma_wait3A_698 : memref<1x12800xf32, #tpu.memory_space<vmem>> -> memref<12800xf32, #tpu.memory_space<vmem>>
    tpu.wait_dma2 semaphore(%dma_wait3A_693 : memref<!tpu.dma_semaphore, #tpu.memory_space<semaphore_mem>>) src(%dma_wait3A_699 : memref<12800xf32, #tpu.memory_space<vmem>>) dst(%dma_wait3A_696 : memref<12800xf32, #tpu.memory_space<hbm>>)
    return
  }
}

</mosaic_0001>

<sc_bundles>
// kernel: kernel.3.cloned.1.call-start
scs
__scs_entry_jumppad:
0x0: {  	(pc) =	sbr.rel $0x88, $3  }
0x1: {  	(tag) =	ssettag $0x0;
	lr =	simm.s32 $0x1  }
0x2: {  	[smem:$0x3F9F] =	sst lr;
	_ =	strace $0xD0000000  }
0x3: {  	_ = 	snop  }
0x4: {  	_ = 	snop  }
0x5: {  	_ = 	snop  }
0x6: {  	_ = 	snop  }
0x7: {  	_ = 	snop  }
__scs_overlays_trampoline_lowered:
0x8: {  	[smem:$0x3FAE] =	sst s0  }
0x9: {  	[smem:$0x3FAF] =	sst s1  }
0xa: {  	[smem:$0x3FB0] =	sst s2  }
0xb: {  	[smem:$0x3FB1] =	sst s3  }
0xc: {  	[smem:$0x3FB2] =	sst s4  }
0xd: {  	[smem:$0x3FB3] =	sst s5  }
0xe: {  	[smem:$0x3FB4] =	sst s6  }
0xf: {  	[smem:$0x3FB5] =	sst s7  }
0x10: {  	[smem:$0x3FB6] =	sst s8  }
0x11: {  	[smem:$0x3FB7] =	sst s9;
	s0 =	simm.s32 @!p0 $0x0  }
0x12: {  	s1 =	sld [smem:$0x3F9D];
	s0 =	simm.s32 @p0 $0x1  }
0x13: {  	[smem:$0x3FB8] =	sst s0;
	s0 =	simm.s32 @!p1 $0x0  }
0x14: {  	s2 =	sld [smem:$0x3F9C];
	s0 =	simm.s32 @p1 $0x1  }
0x15: {  	[smem:$0x3FB9] =	sst s0;
	s0 =	simm.s32 @!p2 $0x0  }
0x16: {  	s3 =	sld [smem:$0x3FDB];
	s0 =	simm.s32 @p2 $0x1  }
0x17: {  	s4 =	simm.s32 $0x1BF5;
	[smem:$0x3FBB] =	sst s0  }
0x18: {  	s0 =	sld [smem:$0x3F9E];
	_ =	swait.ge [sflag:s4], $0x0  }
0x19: {  	s7 =	sld [smem:$0x3F9F]  }
0x1a: {  	s8 =	sadd.s32 $0xFFFFE003, lr  }
0x1b: {  	s9 =	sadd.s32 $0xFFFFFEF7, lr;
	s5 =	simm.s32 $0xFFFFFFFF;
	p2 =	slt.u32 s8, $0xFFFFF086  }
0x1c: {  	p1 =	slt.u32 s9, $0xF7A;
	s5 =	simm.s32 @!p2 $0x0  }
0x1d: {  	s5 =	simm.s32 @p1 $0x1;
	p0 =	seq.s32 s7, s2  }
0x1e: {  	s7 =	smul.u32 @!p0 $0xF7A, s2;
	p2 =	seq.s32 @!p0 s5, $0x0  }
0x1f: {  	s9 =	smul.u32 $0xF7A, s1;
	s8 =	simm.s32 @!p0 $0x1BF5;
	p2 =	por !p2, p0  }
0x20: {  	[sflag:s8] =	ssyncset.s32 @!p0 $0xFFFFF086;
	s6 =	sadd.s32 @!p0 s3, s7;
	s7 =	simm.s32 @!p0 $0x108  }
0x21: {  	s3 =	sadd.s32 s3, s9;
	s6 =	sadd.s32 @!p0 $0x88, s6;
	s7 =	simm.s32 @p2 $0x1082  }
0x22: {  	[simem:s7], [sflag:s8] =	dma.local @!p0 [hbm:s6], $0xF7A  }
0x23: {  	s9 =	sor.u32 $0xD0000000, s2;
	s6 =	simm.s32 $0x108;
	_ =	swait.ge @!p0 [sflag:s8], $0x0  }
0x24: {  	s3 =	sadd.s32 $0x88, s3;
	s6 =	simm.s32 @!p1 $0x1082;
	[sflag:s4] =	ssyncset.s32 $0xFFFFF086  }
0x25: {  	[simem:s6], [sflag:s4] =	dma.local [hbm:s3], $0xF7A  }
0x26: {  	[smem:$0x3F9F] =	sst s1;
	(tag) =	ssettag s2;
	_ =	strace s9  }
0x27: {  	s1 =	sld [smem:$0x3FAF]  }
0x28: {  	s2 =	sld [smem:$0x3FB0]  }
0x29: {  	s4 =	sld [smem:$0x3FB2]  }
0x2a: {  	p0 =	seq.s32 s5, $0x0;
	s5 =	sld [smem:$0x3FB3]  }
0x2b: {  	s6 =	sld [smem:$0x3FB4]  }
0x2c: {  	s7 =	sld [smem:$0x3FB5]  }
0x2d: {  	s3 =	simm.s32 $0x108;
	s8 =	sld [smem:$0x3FB6]  }
0x2e: {  	s3 =	simm.s32 @!p0 $0x1082;
	s9 =	sld [smem:$0x3FB7]  }
0x2f: {  	lr =	sadd.s32 s0, s3;
	s0 =	sld [smem:$0x3FAE]  }
0x30: {  	s3 =	sld [smem:$0x3FB1]  }
0x31: {  	[smem:$0x3FBA] =	sst s10  }
0x32: {  	s10 =	sld [smem:$0x3FB8];
	_ =	sdelay $0x3  }
0x33: {  	p0 =	seq.s32 s10, $0x1;
	s10 =	sld [smem:$0x3FBA];
	_ =	sdelay $0x3  }
0x34: {  	[smem:$0x3FBA] =	sst s10  }
0x35: {  	s10 =	sld [smem:$0x3FB9];
	_ =	sdelay $0x3  }
0x36: {  	p1 =	seq.s32 s10, $0x1;
	s10 =	sld [smem:$0x3FBA];
	_ =	sdelay $0x3  }
0x37: {  	[smem:$0x3FBA] =	sst s10  }
0x38: {  	s10 =	sld [smem:$0x3FBB]  }
0x39: {  	_ = 	snop;
	(pc) =	sbr.ind lr, $3  }
0x3a: {  	_ = 	snop  }
0x3b: {  	_ = 	snop  }
0x3c: {  	p2 =	seq.s32 s10, $0x1;
	s10 =	sld [smem:$0x3FBA]  }
0x3d: {  	_ =	shalt  }
0x3e: {  	_ =	shalt  }
0x3f: {  	_ =	shalt  }
0x40: {  	_ =	shalt  }
0x41: {  	_ =	shalt  }
0x42: {  	_ =	shalt  }
0x43: {  	_ =	shalt  }
0x44: {  	_ =	shalt  }
0x45: {  	_ =	shalt  }
0x46: {  	_ =	shalt  }
0x47: {  	_ =	shalt  }
0x48: {  	_ =	shalt  }
0x49: {  	_ =	shalt  }
0x4a: {  	_ =	shalt  }
0x4b: {  	_ =	shalt  }
0x4c: {  	_ =	shalt  }
0x4d: {  	_ =	shalt  }
0x4e: {  	_ =	shalt  }
0x4f: {  	_ =	shalt  }
0x50: {  	_ =	shalt  }
0x51: {  	_ =	shalt  }
0x52: {  	_ =	shalt  }
0x53: {  	_ =	shalt  }
0x54: {  	_ =	shalt  }
0x55: {  	_ =	shalt  }
0x56: {  	_ =	shalt  }
0x57: {  	_ =	shalt  }
0x58: {  	_ =	shalt  }
0x59: {  	_ =	shalt  }
0x5a: {  	_ =	shalt  }
0x5b: {  	_ =	shalt  }
0x5c: {  	_ =	shalt  }
0x5d: {  	_ =	shalt  }
0x5e: {  	_ =	shalt  }
0x5f: {  	_ =	shalt  }
0x60: {  	_ =	shalt  }
0x61: {  	_ =	shalt  }
0x62: {  	_ =	shalt  }
0x63: {  	_ =	shalt  }
0x64: {  	_ =	shalt  }
0x65: {  	_ =	shalt  }
0x66: {  	_ =	shalt  }
0x67: {  	_ =	shalt  }
0x68: {  	_ =	shalt  }
0x69: {  	_ =	shalt  }
0x6a: {  	_ =	shalt  }
0x6b: {  	_ =	shalt  }
0x6c: {  	_ =	shalt  }
0x6d: {  	_ =	shalt  }
0x6e: {  	_ =	shalt  }
0x6f: {  	_ =	shalt  }
0x70: {  	_ =	shalt  }
0x71: {  	_ =	shalt  }
0x72: {  	_ =	shalt  }
0x73: {  	_ =	shalt  }
0x74: {  	_ =	shalt  }
0x75: {  	_ =	shalt  }
0x76: {  	_ =	shalt  }
0x77: {  	_ =	shalt  }
0x78: {  	_ =	shalt  }
0x79: {  	_ =	shalt  }
0x7a: {  	_ =	shalt  }
0x7b: {  	_ =	shalt  }
0x7c: {  	_ =	shalt  }
0x7d: {  	_ =	shalt  }
0x7e: {  	_ =	shalt  }
0x7f: {  	_ =	shalt  }
0x80: {  	_ =	shalt  }
0x81: {  	_ =	shalt  }
0x82: {  	_ =	shalt  }
0x83: {  	_ =	shalt  }
0x84: {  	_ =	shalt  }
0x85: {  	_ =	shalt  }
0x86: {  	_ =	shalt  }
0x87: {  	_ =	shalt  }
.Lfunc_end0:
.L_simem_size_0:
called_computation_lowered:
.L_overlay_start_0:
0x88: {  	s2 =	sld [smem:$0x3FD9]  }
0x89: {  	s3 =	sld [smem:$0x3FFE];
	_ =	sdelay $0x1  }
0x8a: {  	s1 =	srdreg.scid  }
0x8b: {  	s0 =	sand.u32 $0x1, s1  }
0x8c: {  	s17 =	sshll.u32 s0, $0xA;
	s2 =	sadd.s32 s3, s2  }
0x8d: {  	s2 =	sadd.s32 s2, s17  }
0x8e: {  	[smem:$0x3FC6] =	sst s2  }
0x8f: {  	_ = 	snop  }
0x90: {  	s2 =	sld [smem:$0x3FD0];
	(tm) =	ssettm $0x1  }
0x91: {  	s18 =	sld [smem:$0x3FFB];
	_ =	sdelay $0x3  }
0x92: {  	_ =	strace s18  }
0x93: {  	s3 =	sld [smem:$0x3FFC];
	_ =	sdelay $0x3  }
0x94: {  	_ =	strace s3  }
0x95: {  	s3 =	sld [smem:$0x3FFD];
	_ =	sdelay $0x3  }
0x96: {  	_ =	strace s3  }
0x97: {  	_ =	strace $0x8FFFFFFF  }
0x98: {  	s19 =	sld [smem:$0x3FDB];
	_ =	sdelay $0x1  }
0x99: {  	s4 =	simm.s32 $_scs_section_size  }
0x9a: {  	s5 =	simm.s32 $_size__tile_overlayer_lowered;
	s6 =	simm.s32 $_tile_overlayer_lowered  }
0x9b: {  	s22 =	simm.s32 $0x1BFF;
	s21 =	sshll.u32 s6, $0x1;
	s3 =	sadd.s32 s4, s19  }
0x9c: {  	s7 =	simm.s32 $0x0;
	s20 =	sshll.u32 s5, $0x1;
	s5 =	sadd.s32 s21, s3  }
0x9d: {  	[timem:s7], [sflag:s22] =	dma.local [hbm:s5], s20  }
0x9e: {  	_ =	swait.ge [sflag:s22], s20  }
0x9f: {  	s4 =	ssub.s32 $0x0, s20;
	[sflag:s22] =	ssyncset.done $0x0  }
0xa0: {  	[sflag:s22] =	ssyncadd.s32 s4;
	_ =	sdelay $0x1  }
0xa1: {  	s23 =	simm.s32 $0x1B8B  }
0xa2: {  	_ =	swait.ge [sflag:s23], $0x1  }
0xa3: {  	[sflag:s23] =	ssyncset.done $0x0  }
0xa4: {  	s25 =	simm.s32 $0x1B8E;
	s24 =	sld [smem:$0x3FFE];
	[sflag:s23] =	ssyncadd.s32 $0xFFFFFFFF  }
0xa5: {  	s26 =	simm.s32 $execute0_lowered;
	[smem:$0x3FD2] =	sst s25  }
0xa6: {  	s5 =	sshll.u32 s26, $0x1;
	_ =	strace $0x80000046;
	[dreg:$0x1] =	wrdreg $0xFFFFFFFF  }
0xa7: {  	s28 =	simm.s32 $_size_execute0_lowered;
	s3 =	sadd.s32 s3, s5;
	[dreg:$0x0] =	wrdreg $0x0  }
0xa8: {  	s5 =	sshll.u32 s28, $0x1;
	[dreg:$0x2] =	wrdreg s3  }
0xa9: {  	[dreg:$0x3] =	wrdreg s5  }
0xaa: {  	[dreg:$0x4] =	wrdreg $0xC0  }
0xab: {  	_ =	task [dreg:s7], $0x5FFFF  }
0xac: {  	[dreg:$0x1] =	wrdreg $0xFFFFFFFF  }
0xad: {  	[dreg:$0x0] =	wrdreg $0x60  }
0xae: {  	[dreg:$0x2] =	wrdreg s2  }
0xaf: {  	[dreg:$0x3] =	wrdreg s24  }
0xb0: {  	[dreg:$0x4] =	wrdreg $0x9  }
0xb1: {  	_ =	task.clear_ibuf [dreg:s7], $0x5FFFF;
	_ =	strace $0x90000046  }
0xb2: {  	s29 =	simm.s32 $0x9;
	_ =	strace $0x80000048  }
0xb3: {  	_ =	swait.ge [sflag:s29], $0x1  }
0xb4: {  	[sflag:s29] =	ssyncadd.s32 $0xFFFFFFFF  }
0xb5: {  	_ =	strace $0x90000048  }
0xb6: {  	_ =	sfence  }
0xb7: {  	s30 =	sld [smem:$0x0];
	_ =	sdelay $0x2  }
0xb8: {  	s31 =	sshll.u32 s1, $0xD;
	s1 =	sshrl.u32 s1, $0x2  }
0xb9: {  	s3 =	sand.u32 $0x4000, s31;
	s1 =	sadd.s32 s1, s30  }
0xba: {  	s0 =	sor.u32 s3, s0;
	s1 =	sshll.u32 s1, $0x11  }
0xbb: {  	s0 =	sor.u32 s1, s0  }
0xbc: {  	s0 =	sadd.s32 $0x8F2B, s0  }
0xbd: {  	[sflag:s0] =	ssyncadd.remote.s32 $0x1  }
0xbe: {  	_ =	sfence.sel $0xFFFF  }
0xbf: {  	[dreg:$0x0] =	wrdreg $0xFFFFFFFF;
	(pc) =	sbr.abs _section_cstart, $3  }
0xc0: {  	[dreg:$0x1] =	wrdreg $0xFFFFFFFF  }
0xc1: {  	_ =	task.clear_ibuf [dreg:s7], $0x2FFFF;
	_ =	strace $0x9FFFFFFF  }
0xc2: {  	(tm) =	ssettm $0x7FFFFFFF  }
0xc3: {  	_ =	shalt  }
tec
execute0_lowered:
.L_overlay_start_1:
0x0: {  	(tag) =	ssettag $0x1  }
0x1: {  	s0 =	srdreg.scid;
	s2 =	rddreg [dreg:$0x0]  }
0x2: {  	s3 =	stileid.u32;
	s1 =	rddreg [dreg:$0x1]  }
0x3: {  	s30 =	simm.s32 $0x5;
	s31 =	simm.s32 $0x6;
	s18 =	simm.s32 $0x0  }
0x4: {  	s0 =	sand.u32 $0x1, s0;
	s4 =	sshll.u32 s3, $0x8;
	s3 =	simm.s32 $0x0  }
0x5: {  	s6 =	sadd.s32 $0x400, s1;
	s5 =	sshll.u32 s0, $0x7;
	s0 =	ssub.s32 $0x2, s0  }
0x6: {  	[smem:$0x7FF] =	sst s3;
	s4 =	sor.u32 s5, s4;
	s7 =	sshrl.u32 s0, $0x1  }
0x7: {  	_ =	strace $0x80000047;
	s5 =	sshrl.u32 s4, $0x3;
	s0 =	ssub.s32 s0, s7  }
0x8: {  	[dreg:$0x3] =	wrdreg s6;
	s11 =	smul.u32 $0x3200, s5;
	s0 =	smax.u32 s0, $0x1  }
0x9: {  	s6 =	sadd.s32 $0xC00, s1;
	s5 =	smul.u32 $0x19000, s5;
	[dreg:$0x5] =	wrdreg s0  }
0xa: {  	s0 =	simm.s32 $0x8;
	s7 =	sadd.s32 s2, s11;
	s28 =	sor.u32 $0x10, s11  }
0xb: {  	s15 =	sor.u32 $0x20, s11;
	s17 =	sor.u32 $0x30, s11;
	s11 =	sadd.s32 s6, s11  }
0xc: {  	s29 =	sshrl.u32 s5, $0x3;
	s8 =	sadd.s32 s2, s28;
	s9 =	sadd.s32 s2, s15  }
0xd: {  	s10 =	sadd.s32 s2, s17;
	s12 =	sadd.s32 $0x40, s7;
	s13 =	sadd.s32 s6, s28  }
0xe: {  	s14 =	sadd.s32 $0x50, s7;
	s15 =	sadd.s32 s6, s15;
	s16 =	sadd.s32 $0x60, s7  }
0xf: {  	s17 =	sadd.s32 s6, s17;
	s25 =	sadd.s32 $0x70, s7;
	s1 =	sadd.s32 s6, s29  }
0x10: {  	s19 =	sadd.s32 $0x2EE40, s1;
	s20 =	sadd.s32 $0x2EE50, s1;
	s21 =	sadd.s32 $0x2EE60, s1  }
0x11: {  	s22 =	sadd.s32 $0x2EE70, s1;
	s1 =	simm.s32 $0x7;
	[dreg:$0x4] =	wrdreg s25  }
.LBB2_1:
0x12: {  	[dreg:$0x6] =	wrdreg s18  }
0x13: {  	s5 =	rddreg [dreg:$0x3];
	s18 =	simm.s32 $0x80  }
0x14: {  	[tilespmem:s3], [sflag:$0x9] =	stream.linear.gather [hbm4b:s5+s3], $0x3200, $0x38;
	[tilespmem:$0x1C200] =	vst v63  }
0x15: {  	s24 =	sadd.s32 $0x0, s7;
	s23 =	simm.s32 $0x3400;
	s5 =	simm.s32 $0x3200  }
.LBB2_2:
0x16: {  	[tilespmem:s5], [sflag:$0x1] =	stream.linear.gather [hbm4b:s24+s3], $0x80, $0x38;
	[tilespmem:$0x1C200] =	vst v63  }
0x17: {  	s24 =	smov.u32 s18;
	s5 =	smov.u32 s23;
	p0 =	sne.s32 s18, $0x3180  }
.Ltmp0:
0x18: {  	s18 =	sadd.s32 $0x80, s18;
	(pc) =	sbr.rel @p0 .LBB2_2-.Ltmp0, $2  }
0x19: {  	_ =	sdelay $0x2  }
0x1a: {  	s23 =	sadd.s32 $0x200, s23;
	s24 =	sadd.s32 s24, s7  }
0x1b: {  	[tilespmem:s5], [sflag:$0x1] =	stream.linear.gather [hbm4b:s24+s3], $0x80, $0x38;
	[tilespmem:$0x1C200] =	vst v63  }
0x1c: {  	s5 =	simm.s32 $0x3280  }
0x1d: {  	s18 =	simm.s32 $0x80;
	s24 =	sadd.s32 $0x0, s8;
	s23 =	simm.s32 $0x3480  }
.LBB2_4:
0x1e: {  	[tilespmem:s5], [sflag:$0x2] =	stream.linear.gather [hbm4b:s24+s3], $0x80, $0x38;
	[tilespmem:$0x1C200] =	vst v63  }
0x1f: {  	s24 =	smov.u32 s18;
	s5 =	smov.u32 s23;
	p0 =	sne.s32 s18, $0x3180  }
.Ltmp1:
0x20: {  	s18 =	sadd.s32 $0x80, s18;
	(pc) =	sbr.rel @p0 .LBB2_4-.Ltmp1, $2  }
0x21: {  	_ =	sdelay $0x2  }
0x22: {  	s23 =	sadd.s32 $0x200, s23;
	s24 =	sadd.s32 s24, s8  }
0x23: {  	[tilespmem:s5], [sflag:$0x2] =	stream.linear.gather [hbm4b:s24+s3], $0x80, $0x38;
	[tilespmem:$0x1C200] =	vst v63  }
0x24: {  	s5 =	simm.s32 $0x3300  }
0x25: {  	s18 =	simm.s32 $0x80;
	s24 =	sadd.s32 $0x0, s9;
	s23 =	simm.s32 $0x3500  }
.LBB2_6:
0x26: {  	[tilespmem:s5], [sflag:$0x3] =	stream.linear.gather [hbm4b:s24+s3], $0x80, $0x38;
	[tilespmem:$0x1C200] =	vst v63  }
0x27: {  	s24 =	smov.u32 s18;
	s5 =	smov.u32 s23;
	p0 =	sne.s32 s18, $0x3180  }
.Ltmp2:
0x28: {  	s18 =	sadd.s32 $0x80, s18;
	(pc) =	sbr.rel @p0 .LBB2_6-.Ltmp2, $2  }
0x29: {  	_ =	sdelay $0x2  }
0x2a: {  	s23 =	sadd.s32 $0x200, s23;
	s24 =	sadd.s32 s24, s9  }
0x2b: {  	[tilespmem:s5], [sflag:$0x3] =	stream.linear.gather [hbm4b:s24+s3], $0x80, $0x38;
	[tilespmem:$0x1C200] =	vst v63  }
0x2c: {  	s5 =	simm.s32 $0x3380  }
0x2d: {  	s18 =	simm.s32 $0x80;
	s24 =	sadd.s32 $0x0, s10;
	s23 =	simm.s32 $0x3580  }
.LBB2_8:
0x2e: {  	[tilespmem:s5], [sflag:$0x4] =	stream.linear.gather [hbm4b:s24+s3], $0x80, $0x38;
	[tilespmem:$0x1C200] =	vst v63  }
0x2f: {  	s24 =	smov.u32 s18;
	s5 =	smov.u32 s23;
	p0 =	sne.s32 s18, $0x3180  }
.Ltmp3:
0x30: {  	s18 =	sadd.s32 $0x80, s18;
	(pc) =	sbr.rel @p0 .LBB2_8-.Ltmp3, $2  }
0x31: {  	_ =	sdelay $0x2  }
0x32: {  	s23 =	sadd.s32 $0x200, s23;
	s24 =	sadd.s32 s24, s10  }
0x33: {  	[tilespmem:s5], [sflag:$0x4] =	stream.linear.gather [hbm4b:s24+s3], $0x80, $0x38;
	[tilespmem:$0x1C200] =	vst v63  }
0x34: {  	s28 =	simm.s32 $0x9  }
0x35: {  	_ =	swait.ge [sflag:s28], $0x3200  }
0x36: {  	[sflag:s28] =	ssyncset.done $0x0  }
0x37: {  	s29 =	simm.s32 $0x1;
	[sflag:s28] =	ssyncadd.s32 $0xFFFFCE00  }
0x38: {  	_ =	swait.ge [sflag:s29], $0x3200  }
0x39: {  	[sflag:s29] =	ssyncset.done $0x0  }
0x3a: {  	[sflag:s29] =	ssyncadd.s32 $0xFFFFCE00  }
0x3b: {  	v0 =	vld [tilespmem:$0x3200]  }
0x3c: {  	v1 =	vld [tilespmem:$0x0];
	_ =	sdelay $0x4  }
0x3d: {  	v0 =	vadd.f32 v1, v0  }
0x3e: {  	s5 =	simm.s32 $0xFA00  }
0x3f: {  	s18 =	simm.s32 $0x80;
	s24 =	sadd.s32 $0x0, s11;
	s23 =	simm.s32 $0xFC00;
	[tilespmem:$0xFA00] =	vst v0  }
.LBB2_10:
0x40: {  	[hbm4b:s24+s3] =	stream.linear.scatter [tilespmem:s5], [sflag:$0x5], $0x80, $0x38;
	[tilespmem:$0x1C200] =	vst v63  }
0x41: {  	s24 =	smov.u32 s18;
	s5 =	smov.u32 s23;
	p0 =	sne.s32 s18, $0x3180  }
.Ltmp4:
0x42: {  	s18 =	sadd.s32 $0x80, s18;
	(pc) =	sbr.rel @p0 .LBB2_10-.Ltmp4, $2  }
0x43: {  	_ =	sdelay $0x2  }
0x44: {  	s23 =	sadd.s32 $0x200, s23;
	s24 =	sadd.s32 s24, s11  }
0x45: {  	[hbm4b:s24+s3] =	stream.linear.scatter [tilespmem:s5], [sflag:$0x5], $0x80, $0x38;
	[tilespmem:$0x1C200] =	vst v63  }
0x46: {  	s5 =	simm.s32 $0x3200  }
0x47: {  	s18 =	simm.s32 $0x80;
	s24 =	sadd.s32 $0x0, s12;
	s23 =	simm.s32 $0x3400  }
.LBB2_12:
0x48: {  	[tilespmem:s5], [sflag:$0x1] =	stream.linear.gather [hbm4b:s24+s3], $0x80, $0x38;
	[tilespmem:$0x1C200] =	vst v63  }
0x49: {  	s24 =	smov.u32 s18;
	s5 =	smov.u32 s23;
	p0 =	sne.s32 s18, $0x3180  }
.Ltmp5:
0x4a: {  	s18 =	sadd.s32 $0x80, s18;
	(pc) =	sbr.rel @p0 .LBB2_12-.Ltmp5, $2  }
0x4b: {  	_ =	sdelay $0x2  }
0x4c: {  	s23 =	sadd.s32 $0x200, s23;
	s24 =	sadd.s32 s24, s12  }
0x4d: {  	[tilespmem:s5], [sflag:$0x1] =	stream.linear.gather [hbm4b:s24+s3], $0x80, $0x38;
	[tilespmem:$0x1C200] =	vst v63  }
0x4e: {  	s29 =	simm.s32 $0x2  }
0x4f: {  	_ =	swait.ge [sflag:s29], $0x3200  }
0x50: {  	[sflag:s29] =	ssyncset.done $0x0  }
0x51: {  	[sflag:s29] =	ssyncadd.s32 $0xFFFFCE00  }
0x52: {  	v0 =	vld [tilespmem:$0x3280]  }
0x53: {  	v1 =	vld [tilespmem:$0x0];
	_ =	sdelay $0x4  }
0x54: {  	v0 =	vadd.f32 v1, v0  }
0x55: {  	s5 =	simm.s32 $0xFA80  }
0x56: {  	s18 =	simm.s32 $0x80;
	s24 =	sadd.s32 $0x0, s13;
	s23 =	simm.s32 $0xFC80;
	[tilespmem:$0xFA80] =	vst v0  }
.LBB2_14:
0x57: {  	[hbm4b:s24+s3] =	stream.linear.scatter [tilespmem:s5], [sflag:$0x6], $0x80, $0x38;
	[tilespmem:$0x1C200] =	vst v63  }
0x58: {  	s24 =	smov.u32 s18;
	s5 =	smov.u32 s23;
	p0 =	sne.s32 s18, $0x3180  }
.Ltmp6:
0x59: {  	s18 =	sadd.s32 $0x80, s18;
	(pc) =	sbr.rel @p0 .LBB2_14-.Ltmp6, $2  }
0x5a: {  	_ =	sdelay $0x2  }
0x5b: {  	s23 =	sadd.s32 $0x200, s23;
	s24 =	sadd.s32 s24, s13  }
0x5c: {  	[hbm4b:s24+s3] =	stream.linear.scatter [tilespmem:s5], [sflag:$0x6], $0x80, $0x38;
	[tilespmem:$0x1C200] =	vst v63  }
0x5d: {  	s5 =	simm.s32 $0x3280  }
0x5e: {  	s18 =	simm.s32 $0x80;
	s24 =	sadd.s32 $0x0, s14;
	s23 =	simm.s32 $0x3480  }
.LBB2_16:
0x5f: {  	[tilespmem:s5], [sflag:$0x2] =	stream.linear.gather [hbm4b:s24+s3], $0x80, $0x38;
	[tilespmem:$0x1C200] =	vst v63  }
0x60: {  	s24 =	smov.u32 s18;
	s5 =	smov.u32 s23;
	p0 =	sne.s32 s18, $0x3180  }
.Ltmp7:
0x61: {  	s18 =	sadd.s32 $0x80, s18;
	(pc) =	sbr.rel @p0 .LBB2_16-.Ltmp7, $2  }
0x62: {  	_ =	sdelay $0x2  }
0x63: {  	s23 =	sadd.s32 $0x200, s23;
	s24 =	sadd.s32 s24, s14  }
0x64: {  	[tilespmem:s5], [sflag:$0x2] =	stream.linear.gather [hbm4b:s24+s3], $0x80, $0x38;
	[tilespmem:$0x1C200] =	vst v63  }
0x65: {  	s29 =	simm.s32 $0x3  }
0x66: {  	_ =	swait.ge [sflag:s29], $0x3200  }
0x67: {  	[sflag:s29] =	ssyncset.done $0x0  }
0x68: {  	[sflag:s29] =	ssyncadd.s32 $0xFFFFCE00  }
0x69: {  	v0 =	vld [tilespmem:$0x3300]  }
0x6a: {  	v1 =	vld [tilespmem:$0x0];
	_ =	sdelay $0x4  }
0x6b: {  	v0 =	vadd.f32 v1, v0  }
0x6c: {  	s5 =	simm.s32 $0xFB00  }
0x6d: {  	s18 =	simm.s32 $0x80;
	s24 =	sadd.s32 $0x0, s15;
	s23 =	simm.s32 $0xFD00;
	[tilespmem:$0xFB00] =	vst v0  }
.LBB2_18:
0x6e: {  	[hbm4b:s24+s3] =	stream.linear.scatter [tilespmem:s5], [sflag:$0x7], $0x80, $0x38;
	[tilespmem:$0x1C200] =	vst v63  }
0x6f: {  	s24 =	smov.u32 s18;
	s5 =	smov.u32 s23;
	p0 =	sne.s32 s18, $0x3180  }
.Ltmp8:
0x70: {  	s18 =	sadd.s32 $0x80, s18;
	(pc) =	sbr.rel @p0 .LBB2_18-.Ltmp8, $2  }
0x71: {  	_ =	sdelay $0x2  }
0x72: {  	s23 =	sadd.s32 $0x200, s23;
	s24 =	sadd.s32 s24, s15  }
0x73: {  	[hbm4b:s24+s3] =	stream.linear.scatter [tilespmem:s5], [sflag:$0x7], $0x80, $0x38;
	[tilespmem:$0x1C200] =	vst v63  }
0x74: {  	s5 =	simm.s32 $0x3300  }
0x75: {  	s18 =	simm.s32 $0x80;
	s24 =	sadd.s32 $0x0, s16;
	s23 =	simm.s32 $0x3500  }
.LBB2_20:
0x76: {  	[tilespmem:s5], [sflag:$0x3] =	stream.linear.gather [hbm4b:s24+s3], $0x80, $0x38;
	[tilespmem:$0x1C200] =	vst v63  }
0x77: {  	s24 =	smov.u32 s18;
	s5 =	smov.u32 s23;
	p0 =	sne.s32 s18, $0x3180  }
.Ltmp9:
0x78: {  	s18 =	sadd.s32 $0x80, s18;
	(pc) =	sbr.rel @p0 .LBB2_20-.Ltmp9, $2  }
0x79: {  	_ =	sdelay $0x2  }
0x7a: {  	s23 =	sadd.s32 $0x200, s23;
	s24 =	sadd.s32 s24, s16  }
0x7b: {  	[tilespmem:s5], [sflag:$0x3] =	stream.linear.gather [hbm4b:s24+s3], $0x80, $0x38;
	[tilespmem:$0x1C200] =	vst v63  }
0x7c: {  	s29 =	simm.s32 $0x4  }
0x7d: {  	_ =	swait.ge [sflag:s29], $0x3200  }
0x7e: {  	[sflag:s29] =	ssyncset.done $0x0  }
0x7f: {  	[sflag:s29] =	ssyncadd.s32 $0xFFFFCE00  }
0x80: {  	v0 =	vld [tilespmem:$0x3380]  }
0x81: {  	v1 =	vld [tilespmem:$0x0];
	_ =	sdelay $0x4  }
0x82: {  	v0 =	vadd.f32 v1, v0  }
0x83: {  	s5 =	simm.s32 $0xFB80  }
0x84: {  	s18 =	simm.s32 $0x80;
	s24 =	sadd.s32 $0x0, s17;
	s23 =	simm.s32 $0xFD80;
	[tilespmem:$0xFB80] =	vst v0  }
.LBB2_22:
0x85: {  	[hbm4b:s24+s3] =	stream.linear.scatter [tilespmem:s5], [sflag:$0x8], $0x80, $0x38;
	[tilespmem:$0x1C200] =	vst v63  }
0x86: {  	s24 =	smov.u32 s18;
	s5 =	smov.u32 s23;
	p0 =	sne.s32 s18, $0x3180  }
.Ltmp10:
0x87: {  	s18 =	sadd.s32 $0x80, s18;
	(pc) =	sbr.rel @p0 .LBB2_22-.Ltmp10, $2  }
0x88: {  	_ =	sdelay $0x2  }
0x89: {  	s23 =	sadd.s32 $0x200, s23;
	s24 =	sadd.s32 s24, s17  }
0x8a: {  	[hbm4b:s24+s3] =	stream.linear.scatter [tilespmem:s5], [sflag:$0x8], $0x80, $0x38;
	[tilespmem:$0x1C200] =	vst v63  }
0x8b: {  	s5 =	simm.s32 $0x0;
	s18 =	simm.s32 $0x3380  }
.LBB2_24:
0x8c: {  	p0 =	sne.s32 s5, $0x3180  }
.Ltmp11:
0x8d: {  	_ = 	snop;
	(pc) =	sbr.rel @p0 .LBB2_24-.Ltmp11, $4  }
0x8e: {  	_ = 	snop  }
0x8f: {  	s23 =	sadd.s32 s5, s25  }
0x90: {  	[tilespmem:s18], [sflag:$0x4] =	stream.linear.gather [hbm4b:s23+s3], $0x80, $0x38;
	[tilespmem:$0x1C200] =	vst v63  }
0x91: {  	s5 =	sadd.s32 $0x80, s5;
	s18 =	sadd.s32 $0x200, s18  }
0x92: {  	s23 =	simm.s32 $0x1  }
.LBB2_26:
0x93: {  	s5 =	simm.s32 $0x1  }
0x94: {  	_ =	swait.ge [sflag:s5], $0x3200  }
0x95: {  	[sflag:s5] =	ssyncset.done $0x0  }
0x96: {  	[sflag:s5] =	ssyncadd.s32 $0xFFFFCE00  }
0x97: {  	_ =	swait.ge [sflag:s30], $0x3200  }
0x98: {  	[sflag:s30] =	ssyncset.done $0x0  }
0x99: {  	[sflag:s30] =	ssyncadd.s32 $0xFFFFCE00  }
0x9a: {  	s24 =	sshll.u32 s23, $0x2;
	v0 =	vld [tilespmem:$0x3200]  }
0x9b: {  	s26 =	sor.u32 s4, s24;
	v1 =	vld [tilespmem:$0x0]  }
0x9c: {  	s5 =	sshrl.u32 s26, $0x3  }
0x9d: {  	s18 =	sshll.u32 s23, $0x9;
	s5 =	smul.u32 $0x19000, s5  }
0x9e: {  	s18 =	sand.u32 $0x200, s18  }
0x9f: {  	s5 =	sor.u32 s18, s5  }
0xa0: {  	s5 =	sshrl.u32 s5, $0x3;
	v0 =	vadd.f32 v1, v0  }
0xa1: {  	s25 =	simm.s32 $0xFA00;
	s18 =	sadd.s32 s6, s5  }
0xa2: {  	s28 =	simm.s32 $0xFC00;
	s26 =	simm.s32 $0x80;
	s29 =	sadd.s32 $0x0, s18;
	[tilespmem:$0xFA00] =	vst v0  }
.LBB2_27:
0xa3: {  	[hbm4b:s29+s3] =	stream.linear.scatter [tilespmem:s25], [sflag:$0x5], $0x80, $0x38;
	[tilespmem:$0x1C200] =	vst v63  }
0xa4: {  	s29 =	smov.u32 s26;
	s25 =	smov.u32 s28;
	p0 =	sne.s32 s26, $0x3180  }
.Ltmp12:
0xa5: {  	s26 =	sadd.s32 $0x80, s26;
	(pc) =	sbr.rel @p0 .LBB2_27-.Ltmp12, $2  }
0xa6: {  	_ =	sdelay $0x2  }
0xa7: {  	s28 =	sadd.s32 $0x200, s28;
	s29 =	sadd.s32 s29, s18  }
0xa8: {  	[hbm4b:s29+s3] =	stream.linear.scatter [tilespmem:s25], [sflag:$0x5], $0x80, $0x38;
	[tilespmem:$0x1C200] =	vst v63  }
0xa9: {  	s18 =	sadd.s32 $0x4, s24  }
0xaa: {  	s26 =	sadd.s32 s4, s18  }
0xab: {  	s25 =	sshrl.u32 s26, $0x3  }
0xac: {  	s18 =	sshll.u32 s18, $0x7;
	s25 =	smul.u32 $0x19000, s25  }
0xad: {  	s18 =	sand.u32 $0x200, s18  }
0xae: {  	s18 =	sor.u32 s18, s25  }
0xaf: {  	s18 =	sshrl.u32 s18, $0x3  }
0xb0: {  	s28 =	simm.s32 $0x3400;
	s18 =	sadd.s32 s2, s18  }
0xb1: {  	s26 =	simm.s32 $0x80;
	s25 =	simm.s32 $0x3200;
	s29 =	sadd.s32 $0x0, s18  }
.LBB2_29:
0xb2: {  	[tilespmem:s25], [sflag:$0x1] =	stream.linear.gather [hbm4b:s29+s3], $0x80, $0x38;
	[tilespmem:$0x1C200] =	vst v63  }
0xb3: {  	s29 =	smov.u32 s26;
	s25 =	smov.u32 s28;
	p0 =	sne.s32 s26, $0x3180  }
.Ltmp13:
0xb4: {  	s26 =	sadd.s32 $0x80, s26;
	(pc) =	sbr.rel @p0 .LBB2_29-.Ltmp13, $2  }
0xb5: {  	_ =	sdelay $0x2  }
0xb6: {  	s28 =	sadd.s32 $0x200, s28;
	s29 =	sadd.s32 s29, s18  }
0xb7: {  	[tilespmem:s25], [sflag:$0x1] =	stream.linear.gather [hbm4b:s29+s3], $0x80, $0x38;
	[tilespmem:$0x1C200] =	vst v63  }
0xb8: {  	s18 =	simm.s32 $0x2  }
0xb9: {  	_ =	swait.ge [sflag:s18], $0x3200  }
0xba: {  	[sflag:s18] =	ssyncset.done $0x0  }
0xbb: {  	[sflag:s18] =	ssyncadd.s32 $0xFFFFCE00  }
0xbc: {  	_ =	swait.ge [sflag:s31], $0x3200  }
0xbd: {  	[sflag:s31] =	ssyncset.done $0x0  }
0xbe: {  	[sflag:s31] =	ssyncadd.s32 $0xFFFFCE00  }
0xbf: {  	v0 =	vld [tilespmem:$0x3280]  }
0xc0: {  	v1 =	vld [tilespmem:$0x0];
	_ =	sdelay $0x4  }
0xc1: {  	s5 =	sadd.s32 s5, s6;
	v0 =	vadd.f32 v1, v0  }
0xc2: {  	s25 =	simm.s32 $0xFA80;
	s18 =	sadd.s32 $0x10, s5  }
0xc3: {  	s26 =	simm.s32 $0x80;
	s28 =	simm.s32 $0xFC80;
	s29 =	sadd.s32 $0x0, s18;
	[tilespmem:$0xFA80] =	vst v0  }
.LBB2_31:
0xc4: {  	[hbm4b:s29+s3] =	stream.linear.scatter [tilespmem:s25], [sflag:$0x6], $0x80, $0x38;
	[tilespmem:$0x1C200] =	vst v63  }
0xc5: {  	s29 =	smov.u32 s26;
	s25 =	smov.u32 s28;
	p0 =	sne.s32 s26, $0x3180  }
.Ltmp14:
0xc6: {  	s26 =	sadd.s32 $0x80, s26;
	(pc) =	sbr.rel @p0 .LBB2_31-.Ltmp14, $2  }
0xc7: {  	_ =	sdelay $0x2  }
0xc8: {  	s28 =	sadd.s32 $0x200, s28;
	s29 =	sadd.s32 s29, s18  }
0xc9: {  	[hbm4b:s29+s3] =	stream.linear.scatter [tilespmem:s25], [sflag:$0x6], $0x80, $0x38;
	[tilespmem:$0x1C200] =	vst v63  }
0xca: {  	s18 =	sadd.s32 $0x5, s24  }
0xcb: {  	s26 =	sadd.s32 s4, s18  }
0xcc: {  	s25 =	sshrl.u32 s26, $0x3  }
0xcd: {  	s18 =	sshll.u32 s18, $0x7;
	s25 =	smul.u32 $0x19000, s25  }
0xce: {  	s18 =	sand.u32 $0x280, s18  }
0xcf: {  	s18 =	sor.u32 s18, s25  }
0xd0: {  	s18 =	sshrl.u32 s18, $0x3  }
0xd1: {  	s28 =	simm.s32 $0x3480;
	s18 =	sadd.s32 s2, s18  }
0xd2: {  	s26 =	simm.s32 $0x80;
	s25 =	simm.s32 $0x3280;
	s29 =	sadd.s32 $0x0, s18  }
.LBB2_33:
0xd3: {  	[tilespmem:s25], [sflag:$0x2] =	stream.linear.gather [hbm4b:s29+s3], $0x80, $0x38;
	[tilespmem:$0x1C200] =	vst v63  }
0xd4: {  	s29 =	smov.u32 s26;
	s25 =	smov.u32 s28;
	p0 =	sne.s32 s26, $0x3180  }
.Ltmp15:
0xd5: {  	s26 =	sadd.s32 $0x80, s26;
	(pc) =	sbr.rel @p0 .LBB2_33-.Ltmp15, $2  }
0xd6: {  	_ =	sdelay $0x2  }
0xd7: {  	s28 =	sadd.s32 $0x200, s28;
	s29 =	sadd.s32 s29, s18  }
0xd8: {  	[tilespmem:s25], [sflag:$0x2] =	stream.linear.gather [hbm4b:s29+s3], $0x80, $0x38;
	[tilespmem:$0x1C200] =	vst v63  }
0xd9: {  	s18 =	simm.s32 $0x3  }
0xda: {  	_ =	swait.ge [sflag:s18], $0x3200  }
0xdb: {  	[sflag:s18] =	ssyncset.done $0x0  }
0xdc: {  	[sflag:s18] =	ssyncadd.s32 $0xFFFFCE00  }
0xdd: {  	_ =	swait.ge [sflag:s1], $0x3200  }
0xde: {  	[sflag:s1] =	ssyncset.done $0x0  }
0xdf: {  	[sflag:s1] =	ssyncadd.s32 $0xFFFFCE00  }
0xe0: {  	v0 =	vld [tilespmem:$0x3300]  }
0xe1: {  	v1 =	vld [tilespmem:$0x0];
	_ =	sdelay $0x4  }
0xe2: {  	v0 =	vadd.f32 v1, v0  }
0xe3: {  	s25 =	simm.s32 $0xFB00;
	s18 =	sadd.s32 $0x20, s5  }
0xe4: {  	s26 =	simm.s32 $0x80;
	s28 =	simm.s32 $0xFD00;
	s29 =	sadd.s32 $0x0, s18;
	[tilespmem:$0xFB00] =	vst v0  }
.LBB2_35:
0xe5: {  	[hbm4b:s29+s3] =	stream.linear.scatter [tilespmem:s25], [sflag:$0x7], $0x80, $0x38;
	[tilespmem:$0x1C200] =	vst v63  }
0xe6: {  	s29 =	smov.u32 s26;
	s25 =	smov.u32 s28;
	p0 =	sne.s32 s26, $0x3180  }
.Ltmp16:
0xe7: {  	s26 =	sadd.s32 $0x80, s26;
	(pc) =	sbr.rel @p0 .LBB2_35-.Ltmp16, $2  }
0xe8: {  	_ =	sdelay $0x2  }
0xe9: {  	s28 =	sadd.s32 $0x200, s28;
	s29 =	sadd.s32 s29, s18  }
0xea: {  	[hbm4b:s29+s3] =	stream.linear.scatter [tilespmem:s25], [sflag:$0x7], $0x80, $0x38;
	[tilespmem:$0x1C200] =	vst v63  }
0xeb: {  	s18 =	sadd.s32 $0x6, s24  }
0xec: {  	s26 =	sadd.s32 s4, s18  }
0xed: {  	s25 =	sshrl.u32 s26, $0x3  }
0xee: {  	s18 =	sshll.u32 s18, $0x7;
	s25 =	smul.u32 $0x19000, s25  }
0xef: {  	s18 =	sand.u32 $0x300, s18  }
0xf0: {  	s18 =	sor.u32 s18, s25  }
0xf1: {  	s18 =	sshrl.u32 s18, $0x3  }
0xf2: {  	s28 =	simm.s32 $0x3500;
	s18 =	sadd.s32 s2, s18  }
0xf3: {  	s26 =	simm.s32 $0x80;
	s25 =	simm.s32 $0x3300;
	s29 =	sadd.s32 $0x0, s18  }
.LBB2_37:
0xf4: {  	[tilespmem:s25], [sflag:$0x3] =	stream.linear.gather [hbm4b:s29+s3], $0x80, $0x38;
	[tilespmem:$0x1C200] =	vst v63  }
0xf5: {  	s29 =	smov.u32 s26;
	s25 =	smov.u32 s28;
	p0 =	sne.s32 s26, $0x3180  }
.Ltmp17:
0xf6: {  	s26 =	sadd.s32 $0x80, s26;
	(pc) =	sbr.rel @p0 .LBB2_37-.Ltmp17, $2  }
0xf7: {  	_ =	sdelay $0x2  }
0xf8: {  	s28 =	sadd.s32 $0x200, s28;
	s29 =	sadd.s32 s29, s18  }
0xf9: {  	[tilespmem:s25], [sflag:$0x3] =	stream.linear.gather [hbm4b:s29+s3], $0x80, $0x38;
	[tilespmem:$0x1C200] =	vst v63  }
0xfa: {  	s18 =	simm.s32 $0x4  }
0xfb: {  	_ =	swait.ge [sflag:s18], $0x3200  }
0xfc: {  	[sflag:s18] =	ssyncset.done $0x0  }
0xfd: {  	[sflag:s18] =	ssyncadd.s32 $0xFFFFCE00  }
0xfe: {  	_ =	swait.ge [sflag:s0], $0x3200  }
0xff: {  	[sflag:s0] =	ssyncset.done $0x0  }
0x100: {  	[sflag:s0] =	ssyncadd.s32 $0xFFFFCE00  }
0x101: {  	v0 =	vld [tilespmem:$0x3380]  }
0x102: {  	v1 =	vld [tilespmem:$0x0];
	_ =	sdelay $0x4  }
0x103: {  	v0 =	vadd.f32 v1, v0  }
0x104: {  	s5 =	sadd.s32 $0x30, s5;
	s25 =	simm.s32 $0x80  }
0x105: {  	s26 =	simm.s32 $0xFD80;
	s28 =	sadd.s32 $0x0, s5;
	s18 =	simm.s32 $0xFB80;
	[tilespmem:$0xFB80] =	vst v0  }
.LBB2_39:
0x106: {  	[hbm4b:s28+s3] =	stream.linear.scatter [tilespmem:s18], [sflag:$0x8], $0x80, $0x38;
	[tilespmem:$0x1C200] =	vst v63  }
0x107: {  	s28 =	smov.u32 s25;
	s18 =	smov.u32 s26;
	p0 =	sne.s32 s25, $0x3180  }
.Ltmp18:
0x108: {  	s25 =	sadd.s32 $0x80, s25;
	(pc) =	sbr.rel @p0 .LBB2_39-.Ltmp18, $2  }
0x109: {  	_ =	sdelay $0x2  }
0x10a: {  	s26 =	sadd.s32 $0x200, s26;
	s28 =	sadd.s32 s28, s5  }
0x10b: {  	[hbm4b:s28+s3] =	stream.linear.scatter [tilespmem:s18], [sflag:$0x8], $0x80, $0x38;
	[tilespmem:$0x1C200] =	vst v63  }
0x10c: {  	s5 =	sadd.s32 $0x7, s24  }
0x10d: {  	s29 =	sadd.s32 s4, s5  }
0x10e: {  	s18 =	sshrl.u32 s29, $0x3  }
0x10f: {  	s5 =	sshll.u32 s5, $0x7;
	s18 =	smul.u32 $0x19000, s18  }
0x110: {  	s5 =	sand.u32 $0x380, s5  }
0x111: {  	s5 =	sor.u32 s5, s18  }
0x112: {  	s5 =	sshrl.u32 s5, $0x3  }
0x113: {  	s24 =	simm.s32 $0x80;
	s5 =	sadd.s32 s2, s5  }
0x114: {  	s25 =	simm.s32 $0x3580;
	s18 =	simm.s32 $0x3380;
	s26 =	sadd.s32 $0x0, s5  }
.LBB2_41:
0x115: {  	[tilespmem:s18], [sflag:$0x4] =	stream.linear.gather [hbm4b:s26+s3], $0x80, $0x38;
	[tilespmem:$0x1C200] =	vst v63  }
0x116: {  	s26 =	smov.u32 s24;
	s18 =	smov.u32 s25;
	p0 =	sne.s32 s24, $0x3180  }
.Ltmp19:
0x117: {  	s24 =	sadd.s32 $0x80, s24;
	(pc) =	sbr.rel @p0 .LBB2_41-.Ltmp19, $2  }
0x118: {  	_ =	sdelay $0x2  }
0x119: {  	s25 =	sadd.s32 $0x200, s25;
	s26 =	sadd.s32 s26, s5  }
0x11a: {  	s23 =	sadd.s32 $0x1, s23  }
0x11b: {  	p0 =	sne.s32 s23, $0x1F  }
.Ltmp20:
0x11c: {  	_ = 	snop;
	(pc) =	sbr.rel @p0 .LBB2_26-.Ltmp20, $2  }
0x11d: {  	_ =	sdelay $0x2  }
0x11e: {  	[tilespmem:s18], [sflag:$0x4] =	stream.linear.gather [hbm4b:s26+s3], $0x80, $0x38;
	[tilespmem:$0x1C200] =	vst v63  }
0x11f: {  	s5 =	simm.s32 $0x1  }
0x120: {  	_ =	swait.ge [sflag:s5], $0x3200  }
0x121: {  	[sflag:s5] =	ssyncset.done $0x0  }
0x122: {  	[sflag:s5] =	ssyncadd.s32 $0xFFFFCE00  }
0x123: {  	_ =	swait.ge [sflag:s30], $0x3200  }
0x124: {  	[sflag:s30] =	ssyncset.done $0x0  }
0x125: {  	[sflag:s30] =	ssyncadd.s32 $0xFFFFCE00  }
0x126: {  	v0 =	vld [tilespmem:$0x3200]  }
0x127: {  	v1 =	vld [tilespmem:$0x0];
	_ =	sdelay $0x4  }
0x128: {  	v0 =	vadd.f32 v1, v0  }
0x129: {  	s18 =	simm.s32 $0x80  }
0x12a: {  	s24 =	sadd.s32 $0x0, s19;
	s23 =	simm.s32 $0xFC00;
	s5 =	simm.s32 $0xFA00;
	[tilespmem:$0xFA00] =	vst v0  }
.LBB2_44:
0x12b: {  	[hbm4b:s24+s3] =	stream.linear.scatter [tilespmem:s5], [sflag:$0x5], $0x80, $0x38;
	[tilespmem:$0x1C200] =	vst v63  }
0x12c: {  	s24 =	smov.u32 s18;
	s5 =	smov.u32 s23;
	p0 =	sne.s32 s18, $0x3180  }
.Ltmp21:
0x12d: {  	s18 =	sadd.s32 $0x80, s18;
	(pc) =	sbr.rel @p0 .LBB2_44-.Ltmp21, $2  }
0x12e: {  	_ =	sdelay $0x2  }
0x12f: {  	s23 =	sadd.s32 $0x200, s23;
	s24 =	sadd.s32 s24, s19  }
0x130: {  	[hbm4b:s24+s3] =	stream.linear.scatter [tilespmem:s5], [sflag:$0x5], $0x80, $0x38;
	[tilespmem:$0x1C200] =	vst v63  }
0x131: {  	s29 =	simm.s32 $0x2  }
0x132: {  	_ =	swait.ge [sflag:s29], $0x3200  }
0x133: {  	[sflag:s29] =	ssyncset.done $0x0  }
0x134: {  	[sflag:s29] =	ssyncadd.s32 $0xFFFFCE00  }
0x135: {  	_ =	swait.ge [sflag:s31], $0x3200  }
0x136: {  	[sflag:s31] =	ssyncset.done $0x0  }
0x137: {  	[sflag:s31] =	ssyncadd.s32 $0xFFFFCE00  }
0x138: {  	v0 =	vld [tilespmem:$0x3280]  }
0x139: {  	v1 =	vld [tilespmem:$0x0];
	_ =	sdelay $0x4  }
0x13a: {  	v0 =	vadd.f32 v1, v0  }
0x13b: {  	s5 =	simm.s32 $0xFA80  }
0x13c: {  	s18 =	simm.s32 $0x80;
	s24 =	sadd.s32 $0x0, s20;
	s23 =	simm.s32 $0xFC80;
	[tilespmem:$0xFA80] =	vst v0  }
.LBB2_46:
0x13d: {  	[hbm4b:s24+s3] =	stream.linear.scatter [tilespmem:s5], [sflag:$0x6], $0x80, $0x38;
	[tilespmem:$0x1C200] =	vst v63  }
0x13e: {  	s24 =	smov.u32 s18;
	s5 =	smov.u32 s23;
	p0 =	sne.s32 s18, $0x3180  }
.Ltmp22:
0x13f: {  	s18 =	sadd.s32 $0x80, s18;
	(pc) =	sbr.rel @p0 .LBB2_46-.Ltmp22, $2  }
0x140: {  	_ =	sdelay $0x2  }
0x141: {  	s23 =	sadd.s32 $0x200, s23;
	s24 =	sadd.s32 s24, s20  }
0x142: {  	[hbm4b:s24+s3] =	stream.linear.scatter [tilespmem:s5], [sflag:$0x6], $0x80, $0x38;
	[tilespmem:$0x1C200] =	vst v63  }
0x143: {  	s29 =	simm.s32 $0x3  }
0x144: {  	_ =	swait.ge [sflag:s29], $0x3200  }
0x145: {  	[sflag:s29] =	ssyncset.done $0x0  }
0x146: {  	[sflag:s29] =	ssyncadd.s32 $0xFFFFCE00  }
0x147: {  	_ =	swait.ge [sflag:s1], $0x3200  }
0x148: {  	[sflag:s1] =	ssyncset.done $0x0  }
0x149: {  	[sflag:s1] =	ssyncadd.s32 $0xFFFFCE00  }
0x14a: {  	v0 =	vld [tilespmem:$0x3300]  }
0x14b: {  	v1 =	vld [tilespmem:$0x0];
	_ =	sdelay $0x4  }
0x14c: {  	v0 =	vadd.f32 v1, v0  }
0x14d: {  	s5 =	simm.s32 $0xFB00;
	s18 =	simm.s32 $0x80  }
0x14e: {  	s24 =	sadd.s32 $0x0, s21;
	s23 =	simm.s32 $0xFD00;
	s25 =	rddreg [dreg:$0x4];
	[tilespmem:$0xFB00] =	vst v0  }
.LBB2_48:
0x14f: {  	[hbm4b:s24+s3] =	stream.linear.scatter [tilespmem:s5], [sflag:$0x7], $0x80, $0x38;
	[tilespmem:$0x1C200] =	vst v63  }
0x150: {  	s24 =	smov.u32 s18;
	s5 =	smov.u32 s23;
	p0 =	sne.s32 s18, $0x3180  }
.Ltmp23:
0x151: {  	s18 =	sadd.s32 $0x80, s18;
	(pc) =	sbr.rel @p0 .LBB2_48-.Ltmp23, $2  }
0x152: {  	_ =	sdelay $0x2  }
0x153: {  	s23 =	sadd.s32 $0x200, s23;
	s24 =	sadd.s32 s24, s21  }
0x154: {  	[hbm4b:s24+s3] =	stream.linear.scatter [tilespmem:s5], [sflag:$0x7], $0x80, $0x38;
	[tilespmem:$0x1C200] =	vst v63  }
0x155: {  	s29 =	simm.s32 $0x4  }
0x156: {  	_ =	swait.ge [sflag:s29], $0x3200  }
0x157: {  	[sflag:s29] =	ssyncset.done $0x0  }
0x158: {  	[sflag:s29] =	ssyncadd.s32 $0xFFFFCE00  }
0x159: {  	_ =	swait.ge [sflag:s0], $0x3200  }
0x15a: {  	[sflag:s0] =	ssyncset.done $0x0  }
0x15b: {  	[sflag:s0] =	ssyncadd.s32 $0xFFFFCE00  }
0x15c: {  	v0 =	vld [tilespmem:$0x3380]  }
0x15d: {  	v1 =	vld [tilespmem:$0x0];
	_ =	sdelay $0x4  }
0x15e: {  	v0 =	vadd.f32 v1, v0  }
0x15f: {  	s5 =	simm.s32 $0xFB80  }
0x160: {  	s18 =	simm.s32 $0x80;
	s24 =	sadd.s32 $0x0, s22;
	s23 =	simm.s32 $0xFD80;
	[tilespmem:$0xFB80] =	vst v0  }
.LBB2_50:
0x161: {  	[hbm4b:s24+s3] =	stream.linear.scatter [tilespmem:s5], [sflag:$0x8], $0x80, $0x38;
	[tilespmem:$0x1C200] =	vst v63  }
0x162: {  	s24 =	smov.u32 s18;
	s5 =	smov.u32 s23;
	p0 =	sne.s32 s18, $0x3180  }
.Ltmp24:
0x163: {  	s18 =	sadd.s32 $0x80, s18;
	(pc) =	sbr.rel @p0 .LBB2_50-.Ltmp24, $2  }
0x164: {  	_ =	sdelay $0x2  }
0x165: {  	s23 =	sadd.s32 $0x200, s23;
	s24 =	sadd.s32 s24, s22  }
0x166: {  	[hbm4b:s24+s3] =	stream.linear.scatter [tilespmem:s5], [sflag:$0x8], $0x80, $0x38;
	[tilespmem:$0x1C200] =	vst v63  }
0x167: {  	_ =	swait.ge [sflag:s30], $0x3200  }
0x168: {  	[sflag:s30] =	ssyncset.done $0x0  }
0x169: {  	[sflag:s30] =	ssyncadd.s32 $0xFFFFCE00  }
0x16a: {  	_ =	swait.ge [sflag:s31], $0x3200  }
0x16b: {  	[sflag:s31] =	ssyncset.done $0x0  }
0x16c: {  	[sflag:s31] =	ssyncadd.s32 $0xFFFFCE00  }
0x16d: {  	_ =	swait.ge [sflag:s1], $0x3200  }
0x16e: {  	[sflag:s1] =	ssyncset.done $0x0  }
0x16f: {  	[sflag:s1] =	ssyncadd.s32 $0xFFFFCE00  }
0x170: {  	_ =	swait.ge [sflag:s0], $0x3200  }
0x171: {  	s18 =	rddreg [dreg:$0x6]  }
0x172: {  	s29 =	rddreg [dreg:$0x5];
	s18 =	sadd.s32 $0x1, s18  }
0x173: {  	p0 =	sne.s32 s18, s29  }
.Ltmp25:
0x174: {  	_ = 	snop;
	(pc) =	sbr.rel @p0 .LBB2_1-.Ltmp25, $3  }
0x175: {  	_ =	sdelay $0x1  }
0x176: {  	[sflag:s0] =	ssyncset.done $0x0  }
0x177: {  	[sflag:s0] =	ssyncadd.s32 $0xFFFFCE00  }
0x178: {  	_ =	sfence.sel $0x180000  }
0x179: {  	[bflag:$0x0] =	sbarrier.arrive $0xFFFF  }
0x17a: {  	_ =	strace $0x90000047  }
0x17b: {  	s0 =	stileid.u32;
	[bflag:$0x2] =	sbarrier.arrive $0xFFFF  }
0x17c: {  	p0 =	sne.s32 s0, $0x0;
	s0 =	rddreg [dreg:$0x2]  }
0x17d: {  	s0 =	sadd.s32 @!p0 $0x100000, s0  }
0x17e: {  	[sflag:s0] =	ssyncadd.tile.s32 @!p0 $0x1;
	_ =	shalt  }
.Lfunc_end2:
_tile_overlayer_lowered:
.L_overlay_start_2:
0x17f: {  	(tag) =	ssettag $0x2  }
0x180: {  	s0 =	rddreg [dreg:$0x0];
	s2 =	stileid.u32  }
0x181: {  	s1 =	rddreg [dreg:$0x1];
	p0 =	sne.s32 s2, $0x0  }
0x182: {  	s3 =	rddreg [dreg:$0x2];
	[bflag:$0x3] =	sbarrier.arrive $0xFFFF;
	s2 =	simm.s32 @!p0 $0x1C0A  }
0x183: {  	[timem:s3], [sflag:s2] =	dma.local @!p0 [hbm:s0], s1  }
0x184: {  	s0 =	simm.s32 @!p0 $0xA  }
0x185: {  	_ =	swait.ge @!p0 [sflag:s0], s1  }
0x186: {  	s1 =	ssub.s32 @!p0 $0x0, s1;
	[sflag:s0] =	ssyncset.done @!p0 $0x0  }
0x187: {  	[sflag:s0] =	ssyncadd.s32 @!p0 s1  }
0x188: {  	[bflag:$0x3] =	sbarrier.arrive $0xFFFF  }
0x189: {  	_ =	shalt  }

</sc_bundles>
